<compile_context>
chip_gen: v7x
topology: tpu7x:2x2x1
jax: 0.10.2.dev20260603
libtpu: 0.0.44.dev20260713+nightly
codegen_flags: <defaults>
</compile_context>

<pallas_src>
import functools

import jax
import jax.numpy as jnp
from jax import lax
from jax.experimental import pallas as pl
from jax.experimental.pallas import tpu as pltpu
from jax.experimental.pallas import tpu_sc as plsc

NCLS = 19
NPIX = 8 * 512 * 512
PLANE = 512 * 512
LANES = 16
NWORK = 32
NPW = NPIX // NWORK
CHUNK = 16384
NCHUNK = NPW // CHUNK
NBINS = 2048
BSHIFT = 23 - 11


def _hist_body(x_hbm, t_hbm, out_hbm, lbl_v, pbuf_v, hist_v, outbuf_v,
               sem0, sem1, sem2):
    wid = lax.axis_index("s") * 2 + lax.axis_index("c")
    batch = wid // 4
    inb = (wid % 4) * NPW

    pltpu.sync_copy(t_hbm.at[wid], lbl_v)

    izeros = jnp.zeros((LANES,), jnp.int32)
    ipos = jnp.full((LANES,), 8193, jnp.int32)
    ione = jnp.ones((LANES,), jnp.int32)

    def _zero_body(j, cval):
        hist_v[pl.ds(j * LANES, LANES)] = izeros
        return cval

    zdep = plsc.parallel_loop(0, NBINS // LANES, unroll=8,
                              carry=jnp.int32(0))(_zero_body)

    TOTAL = NCLS * NCHUNK

    def addr(s):
        cc = s >> 2
        kk = s & (NCHUNK - 1)
        return pl.multiple_of(
            (batch * NCLS + cc) * PLANE + inb + kk * CHUNK, CHUNK)

    buf0 = pbuf_v.at[pl.ds(0, CHUNK)]
    buf1 = pbuf_v.at[pl.ds(CHUNK, CHUNK)]

    def start(s, buf, sem):
        pltpu.async_copy(x_hbm.at[pl.ds(addr(s), CHUNK)], buf, sem)

    def wait(s, buf, sem):
        pltpu.make_async_copy(x_hbm.at[pl.ds(addr(s), CHUNK)], buf,
                              sem).wait()

    def compute_chunk(s, bufbase):
        loff = (s & (NCHUNK - 1)) * CHUNK
        cval_cls = s >> 2

        def _main(i, cval):
            o = i * LANES
            p = pbuf_v[pl.ds(bufbase + o, LANES)]
            lbl = lbl_v[pl.ds(loff + o, LANES)]
            m = lbl == cval_cls
            q = jnp.where(m, 2.0 - p, 1.0 + p)
            bits = plsc.bitcast(q, jnp.int32)
            bin_ = (bits >> BSHIFT) - (127 << (23 - BSHIFT))
            val = jnp.where(m, ipos, ione)
            plsc.addupdate_scatter(hist_v, [bin_], val)
            return cval

        return plsc.parallel_loop(0, CHUNK // LANES, unroll=8,
                                  carry=jnp.int32(0))(_main)

    def _reduce_body(j, cval):
        o = j * LANES
        v = hist_v[pl.ds(o, LANES)]
        hist_v[pl.ds(o, LANES)] = izeros
        outbuf_v[pl.ds(o, LANES)] = v & 8191
        outbuf_v[pl.ds(NBINS + o, LANES)] = v >> 13
        return cval

    def boundary(s, dep):
        cc = s >> 2

        @pl.when((s & (NCHUNK - 1)) == NCHUNK - 1)
        def _():
            @pl.when(cc > 0)
            def _():
                pltpu.make_async_copy(outbuf_v, out_hbm.at[0], sem2).wait()

            rdep = plsc.parallel_loop(0, NBINS // LANES, unroll=2,
                                      carry=dep)(_reduce_body)
            base = wid * NCLS + cc + jnp.minimum(rdep, 0)
            pltpu.async_copy(outbuf_v, out_hbm.at[base], sem2)

    start(0, buf0, sem0)
    start(1, buf1, sem1)

    def step2_body(s2, carry):
        s0 = s2 * 2
        s1 = s0 + 1
        wait(s0, buf0, sem0)
        carry = carry + compute_chunk(s0, 0)

        @pl.when(s0 + 2 < TOTAL)
        def _():
            start(s0 + 2, buf0, sem0)

        wait(s1, buf1, sem1)
        carry = carry + compute_chunk(s1, CHUNK)

        @pl.when(s1 + 2 < TOTAL)
        def _():
            start(s1 + 2, buf1, sem1)

        boundary(s1, carry)
        return carry

    lax.fori_loop(0, TOTAL // 2, step2_body, zdep)

    pltpu.make_async_copy(outbuf_v, out_hbm.at[0], sem2).wait()


_hist_call = functools.partial(
    pl.kernel,
    out_type=jax.ShapeDtypeStruct((NWORK * NCLS, 2 * NBINS), jnp.int32),
    mesh=plsc.VectorSubcoreMesh(core_axis_name="c", subcore_axis_name="s"),
    compiler_params=pltpu.CompilerParams(needs_layout_passes=False),
    scratch_types=[
        pltpu.VMEM((NPW,), jnp.int32),
        pltpu.VMEM((2 * CHUNK,), jnp.float32),
        pltpu.VMEM((NBINS + 16,), jnp.int32),
        pltpu.VMEM((2 * NBINS,), jnp.int32),
        pltpu.SemaphoreType.DMA,
        pltpu.SemaphoreType.DMA,
        pltpu.SemaphoreType.DMA,
    ],
)(_hist_body)


def _scan_body(cnt_ref, pos_ref, out_ref):
    cnt = jnp.sum(cnt_ref[...], axis=0).astype(jnp.float32)
    pos = jnp.sum(pos_ref[...], axis=0).astype(jnp.float32)

    def rcum(x):
        y = x
        s = 1
        while s < NBINS:
            shifted = jnp.concatenate(
                [y[:, s:], jnp.zeros((NCLS, s), jnp.float32)], axis=1)
            y = y + shifted
            s *= 2
        return y

    n_incl = rcum(cnt)
    p_incl = rcum(pos)
    n_excl = n_incl - cnt
    p_excl = p_incl - pos
    g = p_incl[:, 0:1]

    def jac(n, p):
        return 1.0 - (g - p) / jnp.maximum(g + n - p, 1.0)

    emid = (lax.broadcasted_iota(jnp.int32, (NCLS, NBINS), 1).astype(
        jnp.float32) + 0.5) * (1.0 / NBINS)
    losses = jnp.sum(emid * (jac(n_incl, p_incl) - jac(n_excl, p_excl)),
                     axis=1, keepdims=True)
    present = (g > 0.0).astype(jnp.float32)
    total = jnp.sum(losses * present) / jnp.maximum(jnp.sum(present), 1.0)
    out_ref[...] = jnp.reshape(total, (1, 1))


_scan_call = pl.pallas_call(
    _scan_body,
    out_shape=jax.ShapeDtypeStruct((1, 1), jnp.float32),
)


def kernel(inputs, target):
    x = inputs.reshape(-1)
    t = target.reshape(NWORK, NPW)
    parts = _hist_call(x, t).reshape(NWORK, NCLS, 2, NBINS)
    out = _scan_call(parts[:, :, 0, :], parts[:, :, 1, :])
    return out[0, 0]

# --- scband reference (transcript-rebuilt; emitter-appended) ---
"""Pipeline reference for scband-rovasz-loss-47158740910167 (READ-ONLY COPY).

The authoritative reference and input builder live on the scoring server;
editing this copy changes nothing except your own understanding.
"""

import jax, jax.numpy as jnp
import numpy as np


def lovasz_grad(gt_sorted):
    # Gradient of the Lovasz extension w.r.t. sorted errors (Berman et al.)
    gts = jnp.sum(gt_sorted)
    intersection = gts - jnp.cumsum(gt_sorted)
    union = gts + jnp.cumsum(1.0 - gt_sorted)
    jaccard = 1.0 - intersection / union
    jaccard = jnp.concatenate([jaccard[:1], jaccard[1:] - jaccard[:-1]])
    return jaccard


def lovasz_softmax(probas, labels):
    # probas: [B, C, H, W], labels: [B, H, W]
    B, C, H, W = probas.shape
    pf = jnp.transpose(probas, (0, 2, 3, 1)).reshape(-1, C)
    lf = labels.reshape(-1)
    losses = []
    presents = []
    for c in range(C):
        fg = (lf == c).astype(pf.dtype)
        class_pred = pf[:, c]
        errors = jnp.abs(fg - class_pred)
        order = jnp.argsort(-errors)  # descending sort
        errors_sorted = errors[order]
        fg_sorted = fg[order]
        # torch version detaches perm and wraps lovasz_grad in Variable -> no grad path
        g = jax.lax.stop_gradient(lovasz_grad(fg_sorted))
        losses.append(jnp.dot(errors_sorted, g))
        presents.append((jnp.sum(fg) > 0).astype(pf.dtype))
    losses = jnp.stack(losses)
    presents = jnp.stack(presents)
    # 'present' classes only, averaged (mean over present classes)
    return jnp.sum(losses * presents) / jnp.maximum(jnp.sum(presents), 1.0)


def setup_inputs(seed: int = 0):
    key = jax.random.key(seed)
    k1, k2 = jax.random.split(key)
    inputs = jax.random.uniform(k1, (8, 19, 512, 512), dtype=jnp.float32)
    target = jax.random.randint(k2, (8, 512, 512), 0, 19, dtype=jnp.int32)
    return {"inputs": inputs, "target": target}


def reference(inputs, target):
    return lovasz_softmax(inputs, target)

if __name__ == "__main__":
    import jax
    _d = setup_inputs()
    print(jax.jit(kernel)(*tuple(_d.values())))

</pallas_src>

<mosaic_0001>
#map = affine_map<(d0, d1) -> (0)>
#map1 = affine_map<(d0, d1) -> (0, 0)>
module attributes {stable_mosaic.version = 14 : i64} {
  func.func @_hist_body(%arg0: i32, %arg1: i32, %arg2: memref<39845888xf32, #tpu.memory_space<hbm>>, %arg3: memref<32x65536xi32, #tpu.memory_space<hbm>>, %arg4: memref<608x4096xi32, #tpu.memory_space<hbm>>, %arg5: memref<65536xi32, #tpu.memory_space<vmem>>, %arg6: memref<32768xf32, #tpu.memory_space<vmem>>, %arg7: memref<2064xi32, #tpu.memory_space<vmem>>, %arg8: memref<4096xi32, #tpu.memory_space<vmem>>, %arg9: memref<!tpu.dma_semaphore, #tpu.memory_space<semaphore_mem>>, %arg10: memref<!tpu.dma_semaphore, #tpu.memory_space<semaphore_mem>>, %arg11: memref<!tpu.dma_semaphore, #tpu.memory_space<semaphore_mem>>) attributes {dimension_semantics = [#tpu.dimension_semantics<core_parallel>, #tpu.dimension_semantics<subcore_parallel>], iteration_bounds = array<i64: 2, 16>, scalar_prefetch = 0 : i64, scratch_operands = 7 : i64, tpu.core_type = #tpu.core_type<sc_vector_subcore>, window_params = [{transform_indices = #map}, {transform_indices = #map1}, {transform_indices = #map1}]} {
    %mul3A = arith.constant 2 : i32
    %mul3A_0 = arith.muli %arg1, %mul3A : i32
    %add3A = arith.addi %mul3A_0, %arg0 : i32
    %jit3A = arith.constant 4 : i32
    %div3A = arith.divsi %add3A, %jit3A : i32
    %sign3A = arith.constant 0 : i32
    %sign3A_1 = arith.cmpi sgt, %add3A, %sign3A : i32
    %sign3A_2 = arith.extui %sign3A_1 : i1 to i32
    %sign3A_3 = arith.constant 0 : i32
    %sign3A_4 = arith.cmpi slt, %add3A, %sign3A_3 : i32
    %sign3A_5 = arith.extui %sign3A_4 : i1 to i32
    %sign3A_6 = arith.subi %sign3A_2, %sign3A_5 : i32
    %sign3A_7 = arith.constant 0 : i32
    %sign3A_8 = arith.cmpi sgt, %jit3A, %sign3A_7 : i32
    %sign3A_9 = arith.extui %sign3A_8 : i1 to i32
    %sign3A_10 = arith.constant 0 : i32
    %sign3A_11 = arith.cmpi slt, %jit3A, %sign3A_10 : i32
    %sign3A_12 = arith.extui %sign3A_11 : i1 to i32
    %sign3A_13 = arith.subi %sign3A_9, %sign3A_12 : i32
    %ne3A = arith.cmpi ne, %sign3A_6, %sign3A_13 : i32
    %rem3A = arith.remsi %add3A, %jit3A : i32
    %ne3A_14 = arith.constant 0 : i32
    %ne3A_15 = arith.cmpi ne, %rem3A, %ne3A_14 : i32
    %and3A = arith.andi %ne3A, %ne3A_15 : i1
    %sub3A = arith.constant 1 : i32
    %sub3A_16 = arith.subi %div3A, %sub3A : i32
    %select_n3A = arith.select %and3A, %sub3A_16, %div3A : i32
    %jit3A_17 = arith.constant 4 : i32
    %eq3A = arith.constant 0 : i32
    %eq3A_18 = arith.cmpi eq, %jit3A_17, %eq3A : i32
    %jit3A_19 = arith.constant 1 : i32
    %select_n3A_20 = arith.select %eq3A_18, %jit3A_19, %jit3A_17 : i32
    %rem3A_21 = arith.remsi %add3A, %select_n3A_20 : i32
    %ne3A_22 = arith.constant 0 : i32
    %ne3A_23 = arith.cmpi ne, %rem3A_21, %ne3A_22 : i32
    %lt3A = arith.constant 0 : i32
    %lt3A_24 = arith.cmpi slt, %rem3A_21, %lt3A : i32
    %lt3A_25 = arith.constant 0 : i32
    %lt3A_26 = arith.cmpi slt, %select_n3A_20, %lt3A_25 : i32
    %ne3A_27 = arith.xori %lt3A_24, %lt3A_26 : i1
    %and3A_28 = arith.andi %ne3A_27, %ne3A_23 : i1
    %add3A_29 = arith.addi %rem3A_21, %select_n3A_20 : i32
    %select_n3A_30 = arith.select %and3A_28, %add3A_29, %rem3A_21 : i32
    %mul3A_31 = arith.constant 65536 : i32
    %mul3A_32 = arith.muli %select_n3A_30, %mul3A_31 : i32
    "tpu.region"() ({
      %run_scoped3A = tpu.sem_alloc : memref<!tpu.dma_semaphore, #tpu.memory_space<semaphore_mem>>
      %dma_start3A_83 = arith.constant 0 : i32
      %dma_start3A_84 = tpu.memref_slice %arg3[%add3A, %dma_start3A_83] : memref<32x65536xi32, #tpu.memory_space<hbm>> -> memref<1x65536xi32, #tpu.memory_space<hbm>>
      %dma_start3A_85 = tpu.memref_squeeze %dma_start3A_84 : memref<1x65536xi32, #tpu.memory_space<hbm>> -> memref<65536xi32, #tpu.memory_space<hbm>>
      %dma_start3A_86 = arith.constant 0 : i32
      %dma_start3A_87 = tpu.memref_slice %arg3[%add3A, %dma_start3A_86] : memref<32x65536xi32, #tpu.memory_space<hbm>> -> memref<1x65536xi32, #tpu.memory_space<hbm>>
      %dma_start3A_88 = tpu.memref_squeeze %dma_start3A_87 : memref<1x65536xi32, #tpu.memory_space<hbm>> -> memref<65536xi32, #tpu.memory_space<hbm>>
      tpu.enqueue_dma source(%dma_start3A_88 : memref<65536xi32, #tpu.memory_space<hbm>>) target(%arg5 : memref<65536xi32, #tpu.memory_space<vmem>>) target_semaphore(%run_scoped3A : memref<!tpu.dma_semaphore, #tpu.memory_space<semaphore_mem>>)
      %dma_wait3A_89 = arith.constant 0 : i32
      %dma_wait3A_90 = tpu.memref_slice %arg3[%add3A, %dma_wait3A_89] : memref<32x65536xi32, #tpu.memory_space<hbm>> -> memref<1x65536xi32, #tpu.memory_space<hbm>>
      %dma_wait3A_91 = tpu.memref_squeeze %dma_wait3A_90 : memref<1x65536xi32, #tpu.memory_space<hbm>> -> memref<65536xi32, #tpu.memory_space<hbm>>
      %dma_wait3A_92 = arith.constant 0 : i32
      %dma_wait3A_93 = tpu.memref_slice %arg3[%add3A, %dma_wait3A_92] : memref<32x65536xi32, #tpu.memory_space<hbm>> -> memref<1x65536xi32, #tpu.memory_space<hbm>>
      %dma_wait3A_94 = tpu.memref_squeeze %dma_wait3A_93 : memref<1x65536xi32, #tpu.memory_space<hbm>> -> memref<65536xi32, #tpu.memory_space<hbm>>
      tpu.wait_dma2 semaphore(%run_scoped3A : memref<!tpu.dma_semaphore, #tpu.memory_space<semaphore_mem>>) src(%dma_wait3A_94 : memref<65536xi32, #tpu.memory_space<hbm>>) dst(%arg5 : memref<65536xi32, #tpu.memory_space<vmem>>)
      tpu.yield
    }) : () -> ()
    %broadcast_in_dim3A = arith.constant 0 : i32
    %broadcast_in_dim3A_33 = vector.broadcast %broadcast_in_dim3A : i32 to vector<16xi32>
    %broadcast_in_dim3A_34 = arith.constant 8193 : i32
    %broadcast_in_dim3A_35 = vector.broadcast %broadcast_in_dim3A_34 : i32 to vector<16xi32>
    %broadcast_in_dim3A_36 = arith.constant 1 : i32
    %broadcast_in_dim3A_37 = vector.broadcast %broadcast_in_dim3A_36 : i32 to vector<16xi32>
    %parallel_loop3A = arith.constant 0 : i32
    %parallel_loop3A_38 = arith.constant 128 : i32
    %parallel_loop3A_39 = arith.constant 1 : i32
    %parallel_loop3A_40 = arith.constant 0 : i32
    %parallel_loop3A_41 = scf.for %parallel_loop3A_83 = %parallel_loop3A to %parallel_loop3A_38 step %parallel_loop3A_39 iter_args(%parallel_loop3A_84 = %parallel_loop3A_40) -> (i32)  : i32 {
      %parallel_loop3A_85 = arith.constant 16 : i32
      %parallel_loop3A_86 = arith.muli %parallel_loop3A_83, %parallel_loop3A_85 : i32
      %parallel_loop3A_87 = arith.index_cast %parallel_loop3A_86 : i32 to index
      %parallel_loop3A_88 = tpu.vector_load %arg7[%parallel_loop3A_87] {strides = array<i32>} : memref<2064xi32, #tpu.memory_space<vmem>>, vector<16xi32>,
      tpu.vector_store %arg7[%parallel_loop3A_87], %broadcast_in_dim3A_33 {strides = array<i32>} : memref<2064xi32, #tpu.memory_space<vmem>>, vector<16xi32>,
      scf.yield %parallel_loop3A_84 : i32
    } {sc.loop_unroll_factor = 8 : i64, sc.parallel_access}
    %mul3A_42 = arith.constant 19 : i32
    %mul3A_43 = arith.muli %select_n3A, %mul3A_42 : i32
    %add3A_44 = arith.constant 0 : i32
    %add3A_45 = arith.addi %mul3A_43, %add3A_44 : i32
    %mul3A_46 = arith.constant 262144 : i32
    %mul3A_47 = arith.muli %add3A_45, %mul3A_46 : i32
    %add3A_48 = arith.addi %mul3A_47, %mul3A_32 : i32
    %add3A_49 = arith.constant 0 : i32
    %add3A_50 = arith.addi %add3A_48, %add3A_49 : i32
    %multiple_of3A = tpu.assume_multiple %add3A_50, 16384 : i32
    %dma_start3A = arith.constant 0 : i32
    %dma_start3A_51 = tpu.memref_slice %arg6[%dma_start3A] : memref<32768xf32, #tpu.memory_space<vmem>> -> memref<16384xf32, #tpu.memory_space<vmem>>
    %dma_start3A_52 = tpu.memref_slice %arg2[%multiple_of3A] : memref<39845888xf32, #tpu.memory_space<hbm>> -> memref<16384xf32, #tpu.memory_space<hbm>>
    %dma_start3A_53 = arith.constant 0 : i32
    %dma_start3A_54 = tpu.memref_slice %arg6[%dma_start3A_53] : memref<32768xf32, #tpu.memory_space<vmem>> -> memref<16384xf32, #tpu.memory_space<vmem>>
    %dma_start3A_55 = tpu.memref_slice %arg2[%multiple_of3A] : memref<39845888xf32, #tpu.memory_space<hbm>> -> memref<16384xf32, #tpu.memory_space<hbm>>
    tpu.enqueue_dma source(%dma_start3A_55 : memref<16384xf32, #tpu.memory_space<hbm>>) target(%dma_start3A_54 : memref<16384xf32, #tpu.memory_space<vmem>>) target_semaphore(%arg9 : memref<!tpu.dma_semaphore, #tpu.memory_space<semaphore_mem>>)
    %mul3A_56 = arith.constant 19 : i32
    %mul3A_57 = arith.muli %select_n3A, %mul3A_56 : i32
    %add3A_58 = arith.constant 0 : i32
    %add3A_59 = arith.addi %mul3A_57, %add3A_58 : i32
    %mul3A_60 = arith.constant 262144 : i32
    %mul3A_61 = arith.muli %add3A_59, %mul3A_60 : i32
    %add3A_62 = arith.addi %mul3A_61, %mul3A_32 : i32
    %add3A_63 = arith.constant 16384 : i32
    %add3A_64 = arith.addi %add3A_62, %add3A_63 : i32
    %multiple_of3A_65 = tpu.assume_multiple %add3A_64, 16384 : i32
    %dma_start3A_66 = arith.constant 16384 : i32
    %dma_start3A_67 = tpu.memref_slice %arg6[%dma_start3A_66] : memref<32768xf32, #tpu.memory_space<vmem>> -> memref<16384xf32, #tpu.memory_space<vmem>>
    %dma_start3A_68 = tpu.memref_slice %arg2[%multiple_of3A_65] : memref<39845888xf32, #tpu.memory_space<hbm>> -> memref<16384xf32, #tpu.memory_space<hbm>>
    %dma_start3A_69 = arith.constant 16384 : i32
    %dma_start3A_70 = tpu.memref_slice %arg6[%dma_start3A_69] : memref<32768xf32, #tpu.memory_space<vmem>> -> memref<16384xf32, #tpu.memory_space<vmem>>
    %dma_start3A_71 = tpu.memref_slice %arg2[%multiple_of3A_65] : memref<39845888xf32, #tpu.memory_space<hbm>> -> memref<16384xf32, #tpu.memory_space<hbm>>
    tpu.enqueue_dma source(%dma_start3A_71 : memref<16384xf32, #tpu.memory_space<hbm>>) target(%dma_start3A_70 : memref<16384xf32, #tpu.memory_space<vmem>>) target_semaphore(%arg10 : memref<!tpu.dma_semaphore, #tpu.memory_space<semaphore_mem>>)
    %scan3A = arith.constant 0 : i32
    %scan3A_72 = arith.constant 38 : i32
    %scan3A_73 = arith.addi %scan3A, %scan3A_72 : i32
    %scan3A_74 = arith.constant 1 : i32
    %scan3A_75 = scf.for %scan3A_83 = %scan3A to %scan3A_73 step %scan3A_74 iter_args(%scan3A_84 = %parallel_loop3A_41) -> (i32)  : i32 {
      %mul3A_85 = arith.constant 2 : i32
      %mul3A_86 = arith.muli %scan3A_83, %mul3A_85 : i32
      %add3A_87 = arith.constant 1 : i32
      %add3A_88 = arith.addi %mul3A_86, %add3A_87 : i32
      %shift_right_arithmetic3A = arith.constant 2 : i32
      %shift_right_arithmetic3A_89 = arith.shrsi %mul3A_86, %shift_right_arithmetic3A : i32
      %and3A_90 = arith.constant 3 : i32
      %and3A_91 = arith.andi %mul3A_86, %and3A_90 : i32
      %mul3A_92 = arith.constant 19 : i32
      %mul3A_93 = arith.muli %select_n3A, %mul3A_92 : i32
      %add3A_94 = arith.addi %mul3A_93, %shift_right_arithmetic3A_89 : i32
      %mul3A_95 = arith.constant 262144 : i32
      %mul3A_96 = arith.muli %add3A_94, %mul3A_95 : i32
      %add3A_97 = arith.addi %mul3A_96, %mul3A_32 : i32
      %mul3A_98 = arith.constant 16384 : i32
      %mul3A_99 = arith.muli %and3A_91, %mul3A_98 : i32
      %add3A_100 = arith.addi %add3A_97, %mul3A_99 : i32
      %multiple_of3A_101 = tpu.assume_multiple %add3A_100, 16384 : i32
      %dma_wait3A_102 = arith.constant 0 : i32
      %dma_wait3A_103 = tpu.memref_slice %arg6[%dma_wait3A_102] : memref<32768xf32, #tpu.memory_space<vmem>> -> memref<16384xf32, #tpu.memory_space<vmem>>
      %dma_wait3A_104 = tpu.memref_slice %arg2[%multiple_of3A_101] : memref<39845888xf32, #tpu.memory_space<hbm>> -> memref<16384xf32, #tpu.memory_space<hbm>>
      %dma_wait3A_105 = arith.constant 0 : i32
      %dma_wait3A_106 = tpu.memref_slice %arg6[%dma_wait3A_105] : memref<32768xf32, #tpu.memory_space<vmem>> -> memref<16384xf32, #tpu.memory_space<vmem>>
      %dma_wait3A_107 = tpu.memref_slice %arg2[%multiple_of3A_101] : memref<39845888xf32, #tpu.memory_space<hbm>> -> memref<16384xf32, #tpu.memory_space<hbm>>
      tpu.wait_dma2 semaphore(%arg9 : memref<!tpu.dma_semaphore, #tpu.memory_space<semaphore_mem>>) src(%dma_wait3A_107 : memref<16384xf32, #tpu.memory_space<hbm>>) dst(%dma_wait3A_106 : memref<16384xf32, #tpu.memory_space<vmem>>)
      %and3A_108 = arith.constant 3 : i32
      %and3A_109 = arith.andi %mul3A_86, %and3A_108 : i32
      %mul3A_110 = arith.constant 16384 : i32
      %mul3A_111 = arith.muli %and3A_109, %mul3A_110 : i32
      %shift_right_arithmetic3A_112 = arith.constant 2 : i32
      %shift_right_arithmetic3A_113 = arith.shrsi %mul3A_86, %shift_right_arithmetic3A_112 : i32
      %parallel_loop3A_114 = arith.constant 0 : i32
      %parallel_loop3A_115 = arith.constant 1024 : i32
      %parallel_loop3A_116 = arith.constant 1 : i32
      %parallel_loop3A_117 = arith.constant 0 : i32
      %parallel_loop3A_118 = scf.for %parallel_loop3A_173 = %parallel_loop3A_114 to %parallel_loop3A_115 step %parallel_loop3A_116 iter_args(%parallel_loop3A_174 = %parallel_loop3A_117) -> (i32)  : i32 {
        %parallel_loop3A_175 = arith.constant 16 : i32
        %parallel_loop3A_176 = arith.muli %parallel_loop3A_173, %parallel_loop3A_175 : i32
        %parallel_loop3A_177 = arith.constant 0 : i32
        %parallel_loop3A_178 = arith.addi %parallel_loop3A_177, %parallel_loop3A_176 : i32
        %parallel_loop3A_179 = arith.index_cast %parallel_loop3A_178 : i32 to index
        %parallel_loop3A_180 = tpu.vector_load %arg6[%parallel_loop3A_179] {strides = array<i32>} : memref<32768xf32, #tpu.memory_space<vmem>>, vector<16xf32>,
        %parallel_loop3A_181 = arith.addi %mul3A_111, %parallel_loop3A_176 : i32
        %parallel_loop3A_182 = arith.index_cast %parallel_loop3A_181 : i32 to index
        %parallel_loop3A_183 = tpu.vector_load %arg5[%parallel_loop3A_182] {strides = array<i32>} : memref<65536xi32, #tpu.memory_space<vmem>>, vector<16xi32>,
        %parallel_loop3A_184 = vector.broadcast %shift_right_arithmetic3A_113 : i32 to vector<16xi32>
        %parallel_loop3A_185 = arith.cmpi eq, %parallel_loop3A_183, %parallel_loop3A_184 : vector<16xi32>
        %parallel_loop3A_186 = arith.constant 2.000000e+00 : f32
        %parallel_loop3A_187 = vector.broadcast %parallel_loop3A_186 : f32 to vector<16xf32>
        %parallel_loop3A_188 = arith.subf %parallel_loop3A_187, %parallel_loop3A_180 : vector<16xf32>
        %parallel_loop3A_189 = arith.constant 1.000000e+00 : f32
        %parallel_loop3A_190 = vector.broadcast %parallel_loop3A_189 : f32 to vector<16xf32>
        %parallel_loop3A_191 = arith.addf %parallel_loop3A_190, %parallel_loop3A_180 : vector<16xf32>
        %parallel_loop3A_192 = arith.select %parallel_loop3A_185, %parallel_loop3A_188, %parallel_loop3A_191 : vector<16xi1>, vector<16xf32>
        %parallel_loop3A_193 = vector.bitcast %parallel_loop3A_192 : vector<16xf32> to vector<16xi32>
        %parallel_loop3A_194 = arith.constant 12 : i32
        %parallel_loop3A_195 = vector.broadcast %parallel_loop3A_194 : i32 to vector<16xi32>
        %parallel_loop3A_196 = arith.shrsi %parallel_loop3A_193, %parallel_loop3A_195 : vector<16xi32>
        %parallel_loop3A_197 = arith.constant 260096 : i32
        %parallel_loop3A_198 = vector.broadcast %parallel_loop3A_197 : i32 to vector<16xi32>
        %parallel_loop3A_199 = arith.subi %parallel_loop3A_196, %parallel_loop3A_198 : vector<16xi32>
        %parallel_loop3A_200 = arith.select %parallel_loop3A_185, %broadcast_in_dim3A_35, %broadcast_in_dim3A_37 : vector<16xi1>, vector<16xi32>
        tpu.vector_store_idx %arg7[%parallel_loop3A_199], %parallel_loop3A_200 {add = true} : memref<2064xi32, #tpu.memory_space<vmem>>[vector<16xi32>], vector<16xi32>,
        scf.yield %parallel_loop3A_174 : i32
      } {sc.loop_unroll_factor = 8 : i64, sc.parallel_access}
      %add3A_119 = arith.addi %scan3A_84, %parallel_loop3A_118 : i32
      %add3A_120 = arith.constant 2 : i32
      %add3A_121 = arith.addi %mul3A_86, %add3A_120 : i32
      %lt3A_122 = arith.constant 76 : i32
      %lt3A_123 = arith.cmpi slt, %add3A_121, %lt3A_122 : i32
      %convert_element_type3A = arith.extui %lt3A_123 : i1 to i32
      %cond3A = arith.constant 0 : i32
      %cond3A_124 = arith.cmpi ne, %convert_element_type3A, %cond3A : i32
      scf.if %cond3A_124 {
        %add3A_173 = arith.constant 2 : i32
        %add3A_174 = arith.addi %mul3A_86, %add3A_173 : i32
        %shift_right_arithmetic3A_175 = arith.constant 2 : i32
        %shift_right_arithmetic3A_176 = arith.shrsi %add3A_174, %shift_right_arithmetic3A_175 : i32
        %and3A_177 = arith.constant 3 : i32
        %and3A_178 = arith.andi %add3A_174, %and3A_177 : i32
        %mul3A_179 = arith.constant 19 : i32
        %mul3A_180 = arith.muli %select_n3A, %mul3A_179 : i32
        %add3A_181 = arith.addi %mul3A_180, %shift_right_arithmetic3A_176 : i32
        %mul3A_182 = arith.constant 262144 : i32
        %mul3A_183 = arith.muli %add3A_181, %mul3A_182 : i32
        %add3A_184 = arith.addi %mul3A_183, %mul3A_32 : i32
        %mul3A_185 = arith.constant 16384 : i32
        %mul3A_186 = arith.muli %and3A_178, %mul3A_185 : i32
        %add3A_187 = arith.addi %add3A_184, %mul3A_186 : i32
        %multiple_of3A_188 = tpu.assume_multiple %add3A_187, 16384 : i32
        %dma_start3A_189 = arith.constant 0 : i32
        %dma_start3A_190 = tpu.memref_slice %arg6[%dma_start3A_189] : memref<32768xf32, #tpu.memory_space<vmem>> -> memref<16384xf32, #tpu.memory_space<vmem>>
        %dma_start3A_191 = tpu.memref_slice %arg2[%multiple_of3A_188] : memref<39845888xf32, #tpu.memory_space<hbm>> -> memref<16384xf32, #tpu.memory_space<hbm>>
        %dma_start3A_192 = arith.constant 0 : i32
        %dma_start3A_193 = tpu.memref_slice %arg6[%dma_start3A_192] : memref<32768xf32, #tpu.memory_space<vmem>> -> memref<16384xf32, #tpu.memory_space<vmem>>
        %dma_start3A_194 = tpu.memref_slice %arg2[%multiple_of3A_188] : memref<39845888xf32, #tpu.memory_space<hbm>> -> memref<16384xf32, #tpu.memory_space<hbm>>
        tpu.enqueue_dma source(%dma_start3A_194 : memref<16384xf32, #tpu.memory_space<hbm>>) target(%dma_start3A_193 : memref<16384xf32, #tpu.memory_space<vmem>>) target_semaphore(%arg9 : memref<!tpu.dma_semaphore, #tpu.memory_space<semaphore_mem>>)
      } else {
      }
      %shift_right_arithmetic3A_125 = arith.constant 2 : i32
      %shift_right_arithmetic3A_126 = arith.shrsi %add3A_88, %shift_right_arithmetic3A_125 : i32
      %and3A_127 = arith.constant 3 : i32
      %and3A_128 = arith.andi %add3A_88, %and3A_127 : i32
      %mul3A_129 = arith.constant 19 : i32
      %mul3A_130 = arith.muli %select_n3A, %mul3A_129 : i32
      %add3A_131 = arith.addi %mul3A_130, %shift_right_arithmetic3A_126 : i32
      %mul3A_132 = arith.constant 262144 : i32
      %mul3A_133 = arith.muli %add3A_131, %mul3A_132 : i32
      %add3A_134 = arith.addi %mul3A_133, %mul3A_32 : i32
      %mul3A_135 = arith.constant 16384 : i32
      %mul3A_136 = arith.muli %and3A_128, %mul3A_135 : i32
      %add3A_137 = arith.addi %add3A_134, %mul3A_136 : i32
      %multiple_of3A_138 = tpu.assume_multiple %add3A_137, 16384 : i32
      %dma_wait3A_139 = arith.constant 16384 : i32
      %dma_wait3A_140 = tpu.memref_slice %arg6[%dma_wait3A_139] : memref<32768xf32, #tpu.memory_space<vmem>> -> memref<16384xf32, #tpu.memory_space<vmem>>
      %dma_wait3A_141 = tpu.memref_slice %arg2[%multiple_of3A_138] : memref<39845888xf32, #tpu.memory_space<hbm>> -> memref<16384xf32, #tpu.memory_space<hbm>>
      %dma_wait3A_142 = arith.constant 16384 : i32
      %dma_wait3A_143 = tpu.memref_slice %arg6[%dma_wait3A_142] : memref<32768xf32, #tpu.memory_space<vmem>> -> memref<16384xf32, #tpu.memory_space<vmem>>
      %dma_wait3A_144 = tpu.memref_slice %arg2[%multiple_of3A_138] : memref<39845888xf32, #tpu.memory_space<hbm>> -> memref<16384xf32, #tpu.memory_space<hbm>>
      tpu.wait_dma2 semaphore(%arg10 : memref<!tpu.dma_semaphore, #tpu.memory_space<semaphore_mem>>) src(%dma_wait3A_144 : memref<16384xf32, #tpu.memory_space<hbm>>) dst(%dma_wait3A_143 : memref<16384xf32, #tpu.memory_space<vmem>>)
      %and3A_145 = arith.constant 3 : i32
      %and3A_146 = arith.andi %add3A_88, %and3A_145 : i32
      %mul3A_147 = arith.constant 16384 : i32
      %mul3A_148 = arith.muli %and3A_146, %mul3A_147 : i32
      %shift_right_arithmetic3A_149 = arith.constant 2 : i32
      %shift_right_arithmetic3A_150 = arith.shrsi %add3A_88, %shift_right_arithmetic3A_149 : i32
      %parallel_loop3A_151 = arith.constant 0 : i32
      %parallel_loop3A_152 = arith.constant 1024 : i32
      %parallel_loop3A_153 = arith.constant 1 : i32
      %parallel_loop3A_154 = arith.constant 0 : i32
      %parallel_loop3A_155 = scf.for %parallel_loop3A_173 = %parallel_loop3A_151 to %parallel_loop3A_152 step %parallel_loop3A_153 iter_args(%parallel_loop3A_174 = %parallel_loop3A_154) -> (i32)  : i32 {
        %parallel_loop3A_175 = arith.constant 16 : i32
        %parallel_loop3A_176 = arith.muli %parallel_loop3A_173, %parallel_loop3A_175 : i32
        %parallel_loop3A_177 = arith.constant 16384 : i32
        %parallel_loop3A_178 = arith.addi %parallel_loop3A_177, %parallel_loop3A_176 : i32
        %parallel_loop3A_179 = arith.index_cast %parallel_loop3A_178 : i32 to index
        %parallel_loop3A_180 = tpu.vector_load %arg6[%parallel_loop3A_179] {strides = array<i32>} : memref<32768xf32, #tpu.memory_space<vmem>>, vector<16xf32>,
        %parallel_loop3A_181 = arith.addi %mul3A_148, %parallel_loop3A_176 : i32
        %parallel_loop3A_182 = arith.index_cast %parallel_loop3A_181 : i32 to index
        %parallel_loop3A_183 = tpu.vector_load %arg5[%parallel_loop3A_182] {strides = array<i32>} : memref<65536xi32, #tpu.memory_space<vmem>>, vector<16xi32>,
        %parallel_loop3A_184 = vector.broadcast %shift_right_arithmetic3A_150 : i32 to vector<16xi32>
        %parallel_loop3A_185 = arith.cmpi eq, %parallel_loop3A_183, %parallel_loop3A_184 : vector<16xi32>
        %parallel_loop3A_186 = arith.constant 2.000000e+00 : f32
        %parallel_loop3A_187 = vector.broadcast %parallel_loop3A_186 : f32 to vector<16xf32>
        %parallel_loop3A_188 = arith.subf %parallel_loop3A_187, %parallel_loop3A_180 : vector<16xf32>
        %parallel_loop3A_189 = arith.constant 1.000000e+00 : f32
        %parallel_loop3A_190 = vector.broadcast %parallel_loop3A_189 : f32 to vector<16xf32>
        %parallel_loop3A_191 = arith.addf %parallel_loop3A_190, %parallel_loop3A_180 : vector<16xf32>
        %parallel_loop3A_192 = arith.select %parallel_loop3A_185, %parallel_loop3A_188, %parallel_loop3A_191 : vector<16xi1>, vector<16xf32>
        %parallel_loop3A_193 = vector.bitcast %parallel_loop3A_192 : vector<16xf32> to vector<16xi32>
        %parallel_loop3A_194 = arith.constant 12 : i32
        %parallel_loop3A_195 = vector.broadcast %parallel_loop3A_194 : i32 to vector<16xi32>
        %parallel_loop3A_196 = arith.shrsi %parallel_loop3A_193, %parallel_loop3A_195 : vector<16xi32>
        %parallel_loop3A_197 = arith.constant 260096 : i32
        %parallel_loop3A_198 = vector.broadcast %parallel_loop3A_197 : i32 to vector<16xi32>
        %parallel_loop3A_199 = arith.subi %parallel_loop3A_196, %parallel_loop3A_198 : vector<16xi32>
        %parallel_loop3A_200 = arith.select %parallel_loop3A_185, %broadcast_in_dim3A_35, %broadcast_in_dim3A_37 : vector<16xi1>, vector<16xi32>
        tpu.vector_store_idx %arg7[%parallel_loop3A_199], %parallel_loop3A_200 {add = true} : memref<2064xi32, #tpu.memory_space<vmem>>[vector<16xi32>], vector<16xi32>,
        scf.yield %parallel_loop3A_174 : i32
      } {sc.loop_unroll_factor = 8 : i64, sc.parallel_access}
      %add3A_156 = arith.addi %add3A_119, %parallel_loop3A_155 : i32
      %add3A_157 = arith.constant 2 : i32
      %add3A_158 = arith.addi %add3A_88, %add3A_157 : i32
      %lt3A_159 = arith.constant 76 : i32
      %lt3A_160 = arith.cmpi slt, %add3A_158, %lt3A_159 : i32
      %convert_element_type3A_161 = arith.extui %lt3A_160 : i1 to i32
      %cond3A_162 = arith.constant 0 : i32
      %cond3A_163 = arith.cmpi ne, %convert_element_type3A_161, %cond3A_162 : i32
      scf.if %cond3A_163 {
        %add3A_173 = arith.constant 2 : i32
        %add3A_174 = arith.addi %add3A_88, %add3A_173 : i32
        %shift_right_arithmetic3A_175 = arith.constant 2 : i32
        %shift_right_arithmetic3A_176 = arith.shrsi %add3A_174, %shift_right_arithmetic3A_175 : i32
        %and3A_177 = arith.constant 3 : i32
        %and3A_178 = arith.andi %add3A_174, %and3A_177 : i32
        %mul3A_179 = arith.constant 19 : i32
        %mul3A_180 = arith.muli %select_n3A, %mul3A_179 : i32
        %add3A_181 = arith.addi %mul3A_180, %shift_right_arithmetic3A_176 : i32
        %mul3A_182 = arith.constant 262144 : i32
        %mul3A_183 = arith.muli %add3A_181, %mul3A_182 : i32
        %add3A_184 = arith.addi %mul3A_183, %mul3A_32 : i32
        %mul3A_185 = arith.constant 16384 : i32
        %mul3A_186 = arith.muli %and3A_178, %mul3A_185 : i32
        %add3A_187 = arith.addi %add3A_184, %mul3A_186 : i32
        %multiple_of3A_188 = tpu.assume_multiple %add3A_187, 16384 : i32
        %dma_start3A_189 = arith.constant 16384 : i32
        %dma_start3A_190 = tpu.memref_slice %arg6[%dma_start3A_189] : memref<32768xf32, #tpu.memory_space<vmem>> -> memref<16384xf32, #tpu.memory_space<vmem>>
        %dma_start3A_191 = tpu.memref_slice %arg2[%multiple_of3A_188] : memref<39845888xf32, #tpu.memory_space<hbm>> -> memref<16384xf32, #tpu.memory_space<hbm>>
        %dma_start3A_192 = arith.constant 16384 : i32
        %dma_start3A_193 = tpu.memref_slice %arg6[%dma_start3A_192] : memref<32768xf32, #tpu.memory_space<vmem>> -> memref<16384xf32, #tpu.memory_space<vmem>>
        %dma_start3A_194 = tpu.memref_slice %arg2[%multiple_of3A_188] : memref<39845888xf32, #tpu.memory_space<hbm>> -> memref<16384xf32, #tpu.memory_space<hbm>>
        tpu.enqueue_dma source(%dma_start3A_194 : memref<16384xf32, #tpu.memory_space<hbm>>) target(%dma_start3A_193 : memref<16384xf32, #tpu.memory_space<vmem>>) target_semaphore(%arg10 : memref<!tpu.dma_semaphore, #tpu.memory_space<semaphore_mem>>)
      } else {
      }
      %shift_right_arithmetic3A_164 = arith.constant 2 : i32
      %shift_right_arithmetic3A_165 = arith.shrsi %add3A_88, %shift_right_arithmetic3A_164 : i32
      %and3A_166 = arith.constant 3 : i32
      %and3A_167 = arith.andi %add3A_88, %and3A_166 : i32
      %eq3A_168 = arith.constant 3 : i32
      %eq3A_169 = arith.cmpi eq, %and3A_167, %eq3A_168 : i32
      %convert_element_type3A_170 = arith.extui %eq3A_169 : i1 to i32
      %cond3A_171 = arith.constant 0 : i32
      %cond3A_172 = arith.cmpi ne, %convert_element_type3A_170, %cond3A_171 : i32
      scf.if %cond3A_172 {
        %gt3A = arith.constant 0 : i32
        %gt3A_173 = arith.cmpi sgt, %shift_right_arithmetic3A_165, %gt3A : i32
        %convert_element_type3A_174 = arith.extui %gt3A_173 : i1 to i32
        %cond3A_175 = arith.constant 0 : i32
        %cond3A_176 = arith.cmpi ne, %convert_element_type3A_174, %cond3A_175 : i32
        scf.if %cond3A_176 {
          %dma_wait3A_192 = arith.constant 0 : i32
          %dma_wait3A_193 = arith.constant 0 : i32
          %dma_wait3A_194 = tpu.memref_slice %arg4[%dma_wait3A_192, %dma_wait3A_193] : memref<608x4096xi32, #tpu.memory_space<hbm>> -> memref<1x4096xi32, #tpu.memory_space<hbm>>
          %dma_wait3A_195 = tpu.memref_squeeze %dma_wait3A_194 : memref<1x4096xi32, #tpu.memory_space<hbm>> -> memref<4096xi32, #tpu.memory_space<hbm>>
          %dma_wait3A_196 = arith.constant 0 : i32
          %dma_wait3A_197 = tpu.memref_slice %arg4[%dma_wait3A_192, %dma_wait3A_196] : memref<608x4096xi32, #tpu.memory_space<hbm>> -> memref<1x4096xi32, #tpu.memory_space<hbm>>
          %dma_wait3A_198 = tpu.memref_squeeze %dma_wait3A_197 : memref<1x4096xi32, #tpu.memory_space<hbm>> -> memref<4096xi32, #tpu.memory_space<hbm>>
          tpu.wait_dma2 semaphore(%arg11 : memref<!tpu.dma_semaphore, #tpu.memory_space<semaphore_mem>>) src(%arg8 : memref<4096xi32, #tpu.memory_space<vmem>>) dst(%dma_wait3A_198 : memref<4096xi32, #tpu.memory_space<hbm>>)
        } else {
        }
        %parallel_loop3A_177 = arith.constant 0 : i32
        %parallel_loop3A_178 = arith.constant 128 : i32
        %parallel_loop3A_179 = arith.constant 1 : i32
        %parallel_loop3A_180 = scf.for %parallel_loop3A_192 = %parallel_loop3A_177 to %parallel_loop3A_178 step %parallel_loop3A_179 iter_args(%parallel_loop3A_193 = %add3A_156) -> (i32)  : i32 {
          %parallel_loop3A_194 = arith.constant 16 : i32
          %parallel_loop3A_195 = arith.muli %parallel_loop3A_192, %parallel_loop3A_194 : i32
          %parallel_loop3A_196 = arith.index_cast %parallel_loop3A_195 : i32 to index
          %parallel_loop3A_197 = tpu.vector_load %arg7[%parallel_loop3A_196] {strides = array<i32>} : memref<2064xi32, #tpu.memory_space<vmem>>, vector<16xi32>,
          %parallel_loop3A_198 = arith.index_cast %parallel_loop3A_195 : i32 to index
          %parallel_loop3A_199 = tpu.vector_load %arg7[%parallel_loop3A_198] {strides = array<i32>} : memref<2064xi32, #tpu.memory_space<vmem>>, vector<16xi32>,
          tpu.vector_store %arg7[%parallel_loop3A_198], %broadcast_in_dim3A_33 {strides = array<i32>} : memref<2064xi32, #tpu.memory_space<vmem>>, vector<16xi32>,
          %parallel_loop3A_200 = arith.constant 8191 : i32
          %parallel_loop3A_201 = vector.broadcast %parallel_loop3A_200 : i32 to vector<16xi32>
          %parallel_loop3A_202 = arith.andi %parallel_loop3A_197, %parallel_loop3A_201 : vector<16xi32>
          %parallel_loop3A_203 = arith.index_cast %parallel_loop3A_195 : i32 to index
          %parallel_loop3A_204 = tpu.vector_load %arg8[%parallel_loop3A_203] {strides = array<i32>} : memref<4096xi32, #tpu.memory_space<vmem>>, vector<16xi32>,
          tpu.vector_store %arg8[%parallel_loop3A_203], %parallel_loop3A_202 {strides = array<i32>} : memref<4096xi32, #tpu.memory_space<vmem>>, vector<16xi32>,
          %parallel_loop3A_205 = arith.constant 13 : i32
          %parallel_loop3A_206 = vector.broadcast %parallel_loop3A_205 : i32 to vector<16xi32>
          %parallel_loop3A_207 = arith.shrsi %parallel_loop3A_197, %parallel_loop3A_206 : vector<16xi32>
          %parallel_loop3A_208 = arith.constant 2048 : i32
          %parallel_loop3A_209 = arith.addi %parallel_loop3A_208, %parallel_loop3A_195 : i32
          %parallel_loop3A_210 = arith.index_cast %parallel_loop3A_209 : i32 to index
          %parallel_loop3A_211 = tpu.vector_load %arg8[%parallel_loop3A_210] {strides = array<i32>} : memref<4096xi32, #tpu.memory_space<vmem>>, vector<16xi32>,
          tpu.vector_store %arg8[%parallel_loop3A_210], %parallel_loop3A_207 {strides = array<i32>} : memref<4096xi32, #tpu.memory_space<vmem>>, vector<16xi32>,
          scf.yield %parallel_loop3A_193 : i32
        } {sc.loop_unroll_factor = 2 : i64, sc.parallel_access}
        %mul3A_181 = arith.constant 19 : i32
        %mul3A_182 = arith.muli %add3A, %mul3A_181 : i32
        %add3A_183 = arith.addi %mul3A_182, %shift_right_arithmetic3A_165 : i32
        %min3A = arith.constant 0 : i32
        %min3A_184 = arith.minsi %parallel_loop3A_180, %min3A : i32
        %add3A_185 = arith.addi %add3A_183, %min3A_184 : i32
        %dma_start3A_186 = arith.constant 0 : i32
        %dma_start3A_187 = tpu.memref_slice %arg4[%add3A_185, %dma_start3A_186] : memref<608x4096xi32, #tpu.memory_space<hbm>> -> memref<1x4096xi32, #tpu.memory_space<hbm>>
        %dma_start3A_188 = tpu.memref_squeeze %dma_start3A_187 : memref<1x4096xi32, #tpu.memory_space<hbm>> -> memref<4096xi32, #tpu.memory_space<hbm>>
        %dma_start3A_189 = arith.constant 0 : i32
        %dma_start3A_190 = tpu.memref_slice %arg4[%add3A_185, %dma_start3A_189] : memref<608x4096xi32, #tpu.memory_space<hbm>> -> memref<1x4096xi32, #tpu.memory_space<hbm>>
        %dma_start3A_191 = tpu.memref_squeeze %dma_start3A_190 : memref<1x4096xi32, #tpu.memory_space<hbm>> -> memref<4096xi32, #tpu.memory_space<hbm>>
        tpu.enqueue_dma source(%arg8 : memref<4096xi32, #tpu.memory_space<vmem>>) target(%dma_start3A_191 : memref<4096xi32, #tpu.memory_space<hbm>>) target_semaphore(%arg11 : memref<!tpu.dma_semaphore, #tpu.memory_space<semaphore_mem>>)
      } else {
      }
      scf.yield %add3A_156 : i32
    }
    %scan3A_76 = arith.constant 38 : i32
    %dma_wait3A = arith.constant 0 : i32
    %dma_wait3A_77 = arith.constant 0 : i32
    %dma_wait3A_78 = tpu.memref_slice %arg4[%dma_wait3A, %dma_wait3A_77] : memref<608x4096xi32, #tpu.memory_space<hbm>> -> memref<1x4096xi32, #tpu.memory_space<hbm>>
    %dma_wait3A_79 = tpu.memref_squeeze %dma_wait3A_78 : memref<1x4096xi32, #tpu.memory_space<hbm>> -> memref<4096xi32, #tpu.memory_space<hbm>>
    %dma_wait3A_80 = arith.constant 0 : i32
    %dma_wait3A_81 = tpu.memref_slice %arg4[%dma_wait3A, %dma_wait3A_80] : memref<608x4096xi32, #tpu.memory_space<hbm>> -> memref<1x4096xi32, #tpu.memory_space<hbm>>
    %dma_wait3A_82 = tpu.memref_squeeze %dma_wait3A_81 : memref<1x4096xi32, #tpu.memory_space<hbm>> -> memref<4096xi32, #tpu.memory_space<hbm>>
    tpu.wait_dma2 semaphore(%arg11 : memref<!tpu.dma_semaphore, #tpu.memory_space<semaphore_mem>>) src(%arg8 : memref<4096xi32, #tpu.memory_space<vmem>>) dst(%dma_wait3A_82 : memref<4096xi32, #tpu.memory_space<hbm>>)
    return
  }
}

module attributes {stable_mosaic.version = 14 : i64} {
  func.func @_scan_body(%arg0: memref<32x19x2048xi32, #tpu.memory_space<vmem>>, %arg1: memref<32x19x2048xi32, #tpu.memory_space<vmem>>, %arg2: memref<1x1xf32, #tpu.memory_space<vmem>>) attributes {dimension_semantics = [], scalar_prefetch = 0 : i64, scratch_operands = 0 : i64, tpu.core_type = #tpu.core_type<tc>} {
    %get3A = arith.constant 0 : index
    %get3A_0 = arith.constant 0 : index
    %get3A_1 = arith.constant 0 : index
    %get3A_2 = vector.load %arg0[%get3A, %get3A_0, %get3A_1] : memref<32x19x2048xi32, #tpu.memory_space<vmem>>, vector<32x19x2048xi32>
    %reduce_sum3A = arith.constant dense<0> : vector<19x2048xi32>
    %reduce_sum3A_3 = vector.multi_reduction <add>, %get3A_2, %reduce_sum3A [0] : vector<32x19x2048xi32> to vector<19x2048xi32>
    %convert_element_type3A = arith.sitofp %reduce_sum3A_3 : vector<19x2048xi32> to vector<19x2048xf32>
    %get3A_4 = arith.constant 0 : index
    %get3A_5 = arith.constant 0 : index
    %get3A_6 = arith.constant 0 : index
    %get3A_7 = vector.load %arg1[%get3A_4, %get3A_5, %get3A_6] : memref<32x19x2048xi32, #tpu.memory_space<vmem>>, vector<32x19x2048xi32>
    %reduce_sum3A_8 = arith.constant dense<0> : vector<19x2048xi32>
    %reduce_sum3A_9 = vector.multi_reduction <add>, %get3A_7, %reduce_sum3A_8 [0] : vector<32x19x2048xi32> to vector<19x2048xi32>
    %convert_element_type3A_10 = arith.sitofp %reduce_sum3A_9 : vector<19x2048xi32> to vector<19x2048xf32>
    %slice3A = vector.extract_strided_slice %convert_element_type3A {offsets = [0, 1], sizes = [19, 2047], strides = [1, 1]} : vector<19x2048xf32> to vector<19x2047xf32>
    %broadcast_in_dim3A = arith.constant 0.000000e+00 : f32
    %broadcast_in_dim3A_11 = vector.broadcast %broadcast_in_dim3A : f32 to vector<19x1xf32>
    %concatenate3A = tpu.concatenate %slice3A, %broadcast_in_dim3A_11 in 1 : vector<19x2047xf32>, vector<19x1xf32> -> vector<19x2048xf32>
    %add3A = arith.addf %convert_element_type3A, %concatenate3A : vector<19x2048xf32>
    %slice3A_12 = vector.extract_strided_slice %add3A {offsets = [0, 2], sizes = [19, 2046], strides = [1, 1]} : vector<19x2048xf32> to vector<19x2046xf32>
    %broadcast_in_dim3A_13 = arith.constant 0.000000e+00 : f32
    %broadcast_in_dim3A_14 = vector.broadcast %broadcast_in_dim3A_13 : f32 to vector<19x2xf32>
    %concatenate3A_15 = tpu.concatenate %slice3A_12, %broadcast_in_dim3A_14 in 1 : vector<19x2046xf32>, vector<19x2xf32> -> vector<19x2048xf32>
    %add3A_16 = arith.addf %add3A, %concatenate3A_15 : vector<19x2048xf32>
    %slice3A_17 = vector.extract_strided_slice %add3A_16 {offsets = [0, 4], sizes = [19, 2044], strides = [1, 1]} : vector<19x2048xf32> to vector<19x2044xf32>
    %broadcast_in_dim3A_18 = arith.constant 0.000000e+00 : f32
    %broadcast_in_dim3A_19 = vector.broadcast %broadcast_in_dim3A_18 : f32 to vector<19x4xf32>
    %concatenate3A_20 = tpu.concatenate %slice3A_17, %broadcast_in_dim3A_19 in 1 : vector<19x2044xf32>, vector<19x4xf32> -> vector<19x2048xf32>
    %add3A_21 = arith.addf %add3A_16, %concatenate3A_20 : vector<19x2048xf32>
    %slice3A_22 = vector.extract_strided_slice %add3A_21 {offsets = [0, 8], sizes = [19, 2040], strides = [1, 1]} : vector<19x2048xf32> to vector<19x2040xf32>
    %broadcast_in_dim3A_23 = arith.constant 0.000000e+00 : f32
    %broadcast_in_dim3A_24 = vector.broadcast %broadcast_in_dim3A_23 : f32 to vector<19x8xf32>
    %concatenate3A_25 = tpu.concatenate %slice3A_22, %broadcast_in_dim3A_24 in 1 : vector<19x2040xf32>, vector<19x8xf32> -> vector<19x2048xf32>
    %add3A_26 = arith.addf %add3A_21, %concatenate3A_25 : vector<19x2048xf32>
    %slice3A_27 = vector.extract_strided_slice %add3A_26 {offsets = [0, 16], sizes = [19, 2032], strides = [1, 1]} : vector<19x2048xf32> to vector<19x2032xf32>
    %broadcast_in_dim3A_28 = arith.constant 0.000000e+00 : f32
    %broadcast_in_dim3A_29 = vector.broadcast %broadcast_in_dim3A_28 : f32 to vector<19x16xf32>
    %concatenate3A_30 = tpu.concatenate %slice3A_27, %broadcast_in_dim3A_29 in 1 : vector<19x2032xf32>, vector<19x16xf32> -> vector<19x2048xf32>
    %add3A_31 = arith.addf %add3A_26, %concatenate3A_30 : vector<19x2048xf32>
    %slice3A_32 = vector.extract_strided_slice %add3A_31 {offsets = [0, 32], sizes = [19, 2016], strides = [1, 1]} : vector<19x2048xf32> to vector<19x2016xf32>
    %broadcast_in_dim3A_33 = arith.constant 0.000000e+00 : f32
    %broadcast_in_dim3A_34 = vector.broadcast %broadcast_in_dim3A_33 : f32 to vector<19x32xf32>
    %concatenate3A_35 = tpu.concatenate %slice3A_32, %broadcast_in_dim3A_34 in 1 : vector<19x2016xf32>, vector<19x32xf32> -> vector<19x2048xf32>
    %add3A_36 = arith.addf %add3A_31, %concatenate3A_35 : vector<19x2048xf32>
    %slice3A_37 = vector.extract_strided_slice %add3A_36 {offsets = [0, 64], sizes = [19, 1984], strides = [1, 1]} : vector<19x2048xf32> to vector<19x1984xf32>
    %broadcast_in_dim3A_38 = arith.constant 0.000000e+00 : f32
    %broadcast_in_dim3A_39 = vector.broadcast %broadcast_in_dim3A_38 : f32 to vector<19x64xf32>
    %concatenate3A_40 = tpu.concatenate %slice3A_37, %broadcast_in_dim3A_39 in 1 : vector<19x1984xf32>, vector<19x64xf32> -> vector<19x2048xf32>
    %add3A_41 = arith.addf %add3A_36, %concatenate3A_40 : vector<19x2048xf32>
    %slice3A_42 = vector.extract_strided_slice %add3A_41 {offsets = [0, 128], sizes = [19, 1920], strides = [1, 1]} : vector<19x2048xf32> to vector<19x1920xf32>
    %broadcast_in_dim3A_43 = arith.constant 0.000000e+00 : f32
    %broadcast_in_dim3A_44 = vector.broadcast %broadcast_in_dim3A_43 : f32 to vector<19x128xf32>
    %concatenate3A_45 = tpu.concatenate %slice3A_42, %broadcast_in_dim3A_44 in 1 : vector<19x1920xf32>, vector<19x128xf32> -> vector<19x2048xf32>
    %add3A_46 = arith.addf %add3A_41, %concatenate3A_45 : vector<19x2048xf32>
    %slice3A_47 = vector.extract_strided_slice %add3A_46 {offsets = [0, 256], sizes = [19, 1792], strides = [1, 1]} : vector<19x2048xf32> to vector<19x1792xf32>
    %broadcast_in_dim3A_48 = arith.constant 0.000000e+00 : f32
    %broadcast_in_dim3A_49 = vector.broadcast %broadcast_in_dim3A_48 : f32 to vector<19x256xf32>
    %concatenate3A_50 = tpu.concatenate %slice3A_47, %broadcast_in_dim3A_49 in 1 : vector<19x1792xf32>, vector<19x256xf32> -> vector<19x2048xf32>
    %add3A_51 = arith.addf %add3A_46, %concatenate3A_50 : vector<19x2048xf32>
    %slice3A_52 = vector.extract_strided_slice %add3A_51 {offsets = [0, 512], sizes = [19, 1536], strides = [1, 1]} : vector<19x2048xf32> to vector<19x1536xf32>
    %broadcast_in_dim3A_53 = arith.constant 0.000000e+00 : f32
    %broadcast_in_dim3A_54 = vector.broadcast %broadcast_in_dim3A_53 : f32 to vector<19x512xf32>
    %concatenate3A_55 = tpu.concatenate %slice3A_52, %broadcast_in_dim3A_54 in 1 : vector<19x1536xf32>, vector<19x512xf32> -> vector<19x2048xf32>
    %add3A_56 = arith.addf %add3A_51, %concatenate3A_55 : vector<19x2048xf32>
    %slice3A_57 = vector.extract_strided_slice %add3A_56 {offsets = [0, 1024], sizes = [19, 1024], strides = [1, 1]} : vector<19x2048xf32> to vector<19x1024xf32>
    %broadcast_in_dim3A_58 = arith.constant 0.000000e+00 : f32
    %broadcast_in_dim3A_59 = vector.broadcast %broadcast_in_dim3A_58 : f32 to vector<19x1024xf32>
    %concatenate3A_60 = tpu.concatenate %slice3A_57, %broadcast_in_dim3A_59 in 1 : vector<19x1024xf32>, vector<19x1024xf32> -> vector<19x2048xf32>
    %add3A_61 = arith.addf %add3A_56, %concatenate3A_60 : vector<19x2048xf32>
    %slice3A_62 = vector.extract_strided_slice %convert_element_type3A_10 {offsets = [0, 1], sizes = [19, 2047], strides = [1, 1]} : vector<19x2048xf32> to vector<19x2047xf32>
    %broadcast_in_dim3A_63 = arith.constant 0.000000e+00 : f32
    %broadcast_in_dim3A_64 = vector.broadcast %broadcast_in_dim3A_63 : f32 to vector<19x1xf32>
    %concatenate3A_65 = tpu.concatenate %slice3A_62, %broadcast_in_dim3A_64 in 1 : vector<19x2047xf32>, vector<19x1xf32> -> vector<19x2048xf32>
    %add3A_66 = arith.addf %convert_element_type3A_10, %concatenate3A_65 : vector<19x2048xf32>
    %slice3A_67 = vector.extract_strided_slice %add3A_66 {offsets = [0, 2], sizes = [19, 2046], strides = [1, 1]} : vector<19x2048xf32> to vector<19x2046xf32>
    %broadcast_in_dim3A_68 = arith.constant 0.000000e+00 : f32
    %broadcast_in_dim3A_69 = vector.broadcast %broadcast_in_dim3A_68 : f32 to vector<19x2xf32>
    %concatenate3A_70 = tpu.concatenate %slice3A_67, %broadcast_in_dim3A_69 in 1 : vector<19x2046xf32>, vector<19x2xf32> -> vector<19x2048xf32>
    %add3A_71 = arith.addf %add3A_66, %concatenate3A_70 : vector<19x2048xf32>
    %slice3A_72 = vector.extract_strided_slice %add3A_71 {offsets = [0, 4], sizes = [19, 2044], strides = [1, 1]} : vector<19x2048xf32> to vector<19x2044xf32>
    %broadcast_in_dim3A_73 = arith.constant 0.000000e+00 : f32
    %broadcast_in_dim3A_74 = vector.broadcast %broadcast_in_dim3A_73 : f32 to vector<19x4xf32>
    %concatenate3A_75 = tpu.concatenate %slice3A_72, %broadcast_in_dim3A_74 in 1 : vector<19x2044xf32>, vector<19x4xf32> -> vector<19x2048xf32>
    %add3A_76 = arith.addf %add3A_71, %concatenate3A_75 : vector<19x2048xf32>
    %slice3A_77 = vector.extract_strided_slice %add3A_76 {offsets = [0, 8], sizes = [19, 2040], strides = [1, 1]} : vector<19x2048xf32> to vector<19x2040xf32>
    %broadcast_in_dim3A_78 = arith.constant 0.000000e+00 : f32
    %broadcast_in_dim3A_79 = vector.broadcast %broadcast_in_dim3A_78 : f32 to vector<19x8xf32>
    %concatenate3A_80 = tpu.concatenate %slice3A_77, %broadcast_in_dim3A_79 in 1 : vector<19x2040xf32>, vector<19x8xf32> -> vector<19x2048xf32>
    %add3A_81 = arith.addf %add3A_76, %concatenate3A_80 : vector<19x2048xf32>
    %slice3A_82 = vector.extract_strided_slice %add3A_81 {offsets = [0, 16], sizes = [19, 2032], strides = [1, 1]} : vector<19x2048xf32> to vector<19x2032xf32>
    %broadcast_in_dim3A_83 = arith.constant 0.000000e+00 : f32
    %broadcast_in_dim3A_84 = vector.broadcast %broadcast_in_dim3A_83 : f32 to vector<19x16xf32>
    %concatenate3A_85 = tpu.concatenate %slice3A_82, %broadcast_in_dim3A_84 in 1 : vector<19x2032xf32>, vector<19x16xf32> -> vector<19x2048xf32>
    %add3A_86 = arith.addf %add3A_81, %concatenate3A_85 : vector<19x2048xf32>
    %slice3A_87 = vector.extract_strided_slice %add3A_86 {offsets = [0, 32], sizes = [19, 2016], strides = [1, 1]} : vector<19x2048xf32> to vector<19x2016xf32>
    %broadcast_in_dim3A_88 = arith.constant 0.000000e+00 : f32
    %broadcast_in_dim3A_89 = vector.broadcast %broadcast_in_dim3A_88 : f32 to vector<19x32xf32>
    %concatenate3A_90 = tpu.concatenate %slice3A_87, %broadcast_in_dim3A_89 in 1 : vector<19x2016xf32>, vector<19x32xf32> -> vector<19x2048xf32>
    %add3A_91 = arith.addf %add3A_86, %concatenate3A_90 : vector<19x2048xf32>
    %slice3A_92 = vector.extract_strided_slice %add3A_91 {offsets = [0, 64], sizes = [19, 1984], strides = [1, 1]} : vector<19x2048xf32> to vector<19x1984xf32>
    %broadcast_in_dim3A_93 = arith.constant 0.000000e+00 : f32
    %broadcast_in_dim3A_94 = vector.broadcast %broadcast_in_dim3A_93 : f32 to vector<19x64xf32>
    %concatenate3A_95 = tpu.concatenate %slice3A_92, %broadcast_in_dim3A_94 in 1 : vector<19x1984xf32>, vector<19x64xf32> -> vector<19x2048xf32>
    %add3A_96 = arith.addf %add3A_91, %concatenate3A_95 : vector<19x2048xf32>
    %slice3A_97 = vector.extract_strided_slice %add3A_96 {offsets = [0, 128], sizes = [19, 1920], strides = [1, 1]} : vector<19x2048xf32> to vector<19x1920xf32>
    %broadcast_in_dim3A_98 = arith.constant 0.000000e+00 : f32
    %broadcast_in_dim3A_99 = vector.broadcast %broadcast_in_dim3A_98 : f32 to vector<19x128xf32>
    %concatenate3A_100 = tpu.concatenate %slice3A_97, %broadcast_in_dim3A_99 in 1 : vector<19x1920xf32>, vector<19x128xf32> -> vector<19x2048xf32>
    %add3A_101 = arith.addf %add3A_96, %concatenate3A_100 : vector<19x2048xf32>
    %slice3A_102 = vector.extract_strided_slice %add3A_101 {offsets = [0, 256], sizes = [19, 1792], strides = [1, 1]} : vector<19x2048xf32> to vector<19x1792xf32>
    %broadcast_in_dim3A_103 = arith.constant 0.000000e+00 : f32
    %broadcast_in_dim3A_104 = vector.broadcast %broadcast_in_dim3A_103 : f32 to vector<19x256xf32>
    %concatenate3A_105 = tpu.concatenate %slice3A_102, %broadcast_in_dim3A_104 in 1 : vector<19x1792xf32>, vector<19x256xf32> -> vector<19x2048xf32>
    %add3A_106 = arith.addf %add3A_101, %concatenate3A_105 : vector<19x2048xf32>
    %slice3A_107 = vector.extract_strided_slice %add3A_106 {offsets = [0, 512], sizes = [19, 1536], strides = [1, 1]} : vector<19x2048xf32> to vector<19x1536xf32>
    %broadcast_in_dim3A_108 = arith.constant 0.000000e+00 : f32
    %broadcast_in_dim3A_109 = vector.broadcast %broadcast_in_dim3A_108 : f32 to vector<19x512xf32>
    %concatenate3A_110 = tpu.concatenate %slice3A_107, %broadcast_in_dim3A_109 in 1 : vector<19x1536xf32>, vector<19x512xf32> -> vector<19x2048xf32>
    %add3A_111 = arith.addf %add3A_106, %concatenate3A_110 : vector<19x2048xf32>
    %slice3A_112 = vector.extract_strided_slice %add3A_111 {offsets = [0, 1024], sizes = [19, 1024], strides = [1, 1]} : vector<19x2048xf32> to vector<19x1024xf32>
    %broadcast_in_dim3A_113 = arith.constant 0.000000e+00 : f32
    %broadcast_in_dim3A_114 = vector.broadcast %broadcast_in_dim3A_113 : f32 to vector<19x1024xf32>
    %concatenate3A_115 = tpu.concatenate %slice3A_112, %broadcast_in_dim3A_114 in 1 : vector<19x1024xf32>, vector<19x1024xf32> -> vector<19x2048xf32>
    %add3A_116 = arith.addf %add3A_111, %concatenate3A_115 : vector<19x2048xf32>
    %sub3A = arith.subf %add3A_61, %convert_element_type3A : vector<19x2048xf32>
    %sub3A_117 = arith.subf %add3A_116, %convert_element_type3A_10 : vector<19x2048xf32>
    %slice3A_118 = vector.extract_strided_slice %add3A_116 {offsets = [0, 0], sizes = [19, 1], strides = [1, 1]} : vector<19x2048xf32> to vector<19x1xf32>
    %iota3A = tpu.iota {dimensions = array<i32: 1>} : vector<19x2048xi32>
    %convert_element_type3A_119 = arith.sitofp %iota3A : vector<19x2048xi32> to vector<19x2048xf32>
    %add3A_120 = arith.constant 5.000000e-01 : f32
    %add3A_121 = vector.broadcast %add3A_120 : f32 to vector<19x2048xf32>
    %add3A_122 = arith.addf %convert_element_type3A_119, %add3A_121 : vector<19x2048xf32>
    %mul3A = arith.constant 4.8828125E-4 : f32
    %mul3A_123 = vector.broadcast %mul3A : f32 to vector<19x2048xf32>
    %mul3A_124 = arith.mulf %add3A_122, %mul3A_123 : vector<19x2048xf32>
    %sub3A_125 = vector.broadcast %slice3A_118 : vector<19x1xf32> to vector<19x2048xf32>
    %sub3A_126 = arith.subf %sub3A_125, %add3A_116 : vector<19x2048xf32>
    %add3A_127 = vector.broadcast %slice3A_118 : vector<19x1xf32> to vector<19x2048xf32>
    %add3A_128 = arith.addf %add3A_127, %add3A_61 : vector<19x2048xf32>
    %sub3A_129 = arith.subf %add3A_128, %add3A_116 : vector<19x2048xf32>
    %max3A = arith.constant 1.000000e+00 : f32
    %max3A_130 = vector.broadcast %max3A : f32 to vector<19x2048xf32>
    %max3A_131 = arith.maximumf %sub3A_129, %max3A_130 : vector<19x2048xf32>
    %div3A = arith.divf %sub3A_126, %max3A_131 : vector<19x2048xf32>
    %sub3A_132 = arith.constant 1.000000e+00 : f32
    %sub3A_133 = vector.broadcast %sub3A_132 : f32 to vector<19x2048xf32>
    %sub3A_134 = arith.subf %sub3A_133, %div3A : vector<19x2048xf32>
    %sub3A_135 = vector.broadcast %slice3A_118 : vector<19x1xf32> to vector<19x2048xf32>
    %sub3A_136 = arith.subf %sub3A_135, %sub3A_117 : vector<19x2048xf32>
    %add3A_137 = vector.broadcast %slice3A_118 : vector<19x1xf32> to vector<19x2048xf32>
    %add3A_138 = arith.addf %add3A_137, %sub3A : vector<19x2048xf32>
    %sub3A_139 = arith.subf %add3A_138, %sub3A_117 : vector<19x2048xf32>
    %max3A_140 = arith.constant 1.000000e+00 : f32
    %max3A_141 = vector.broadcast %max3A_140 : f32 to vector<19x2048xf32>
    %max3A_142 = arith.maximumf %sub3A_139, %max3A_141 : vector<19x2048xf32>
    %div3A_143 = arith.divf %sub3A_136, %max3A_142 : vector<19x2048xf32>
    %sub3A_144 = arith.constant 1.000000e+00 : f32
    %sub3A_145 = vector.broadcast %sub3A_144 : f32 to vector<19x2048xf32>
    %sub3A_146 = arith.subf %sub3A_145, %div3A_143 : vector<19x2048xf32>
    %sub3A_147 = arith.subf %sub3A_134, %sub3A_146 : vector<19x2048xf32>
    %mul3A_148 = arith.mulf %mul3A_124, %sub3A_147 : vector<19x2048xf32>
    %reduce_sum3A_149 = arith.constant dense<0.000000e+00> : vector<19xf32>
    %reduce_sum3A_150 = vector.multi_reduction <add>, %mul3A_148, %reduce_sum3A_149 [1] : vector<19x2048xf32> to vector<19xf32>
    %broadcast_in_dim3A_151 = vector.shape_cast %reduce_sum3A_150 : vector<19xf32> to vector<19x1xf32>
    %gt3A = arith.constant 0.000000e+00 : f32
    %gt3A_152 = vector.broadcast %gt3A : f32 to vector<19x1xf32>
    %gt3A_153 = arith.cmpf ogt, %slice3A_118, %gt3A_152 : vector<19x1xf32>
    %convert_element_type3A_154 = arith.extui %gt3A_153 : vector<19x1xi1> to vector<19x1xi32>
    %convert_element_type3A_155 = arith.sitofp %convert_element_type3A_154 : vector<19x1xi32> to vector<19x1xf32>
    %mul3A_156 = arith.mulf %broadcast_in_dim3A_151, %convert_element_type3A_155 : vector<19x1xf32>
    %reduce_sum3A_157 = vector.shape_cast %mul3A_156 : vector<19x1xf32> to vector<1x19x1xf32>
    %reduce_sum3A_158 = arith.constant dense<0.000000e+00> : vector<1xf32>
    %reduce_sum3A_159 = vector.multi_reduction <add>, %reduce_sum3A_157, %reduce_sum3A_158 [1, 2] : vector<1x19x1xf32> to vector<1xf32>
    %reduce_sum3A_160 = vector.shape_cast %reduce_sum3A_159 : vector<1xf32> to vector<1x1x1xf32>
    %reduce_sum3A_161 = vector.extract %reduce_sum3A_160[0, 0, 0] : f32 from vector<1x1x1xf32>
    %reduce_sum3A_162 = vector.shape_cast %convert_element_type3A_155 : vector<19x1xf32> to vector<1x19x1xf32>
    %reduce_sum3A_163 = arith.constant dense<0.000000e+00> : vector<1xf32>
    %reduce_sum3A_164 = vector.multi_reduction <add>, %reduce_sum3A_162, %reduce_sum3A_163 [1, 2] : vector<1x19x1xf32> to vector<1xf32>
    %reduce_sum3A_165 = vector.shape_cast %reduce_sum3A_164 : vector<1xf32> to vector<1x1x1xf32>
    %reduce_sum3A_166 = vector.extract %reduce_sum3A_165[0, 0, 0] : f32 from vector<1x1x1xf32>
    %max3A_167 = arith.constant 1.000000e+00 : f32
    %max3A_168 = arith.maximumf %reduce_sum3A_166, %max3A_167 : f32
    %div3A_169 = arith.divf %reduce_sum3A_161, %max3A_168 : f32
    %reshape3A = vector.broadcast %div3A_169 : f32 to vector<1x1xf32>
    %swap3A = arith.constant 0 : index
    %swap3A_170 = arith.constant 0 : index
    %swap3A_171 = vector.load %arg2[%swap3A, %swap3A_170] : memref<1x1xf32, #tpu.memory_space<vmem>>, vector<1x1xf32>
    tpu.vector_store %arg2[%swap3A, %swap3A_170], %reshape3A {strides = array<i32>} : memref<1x1xf32, #tpu.memory_space<vmem>>, vector<1x1xf32>,
    return
  }
}

</mosaic_0001>

<sc_bundles>
// kernel: kernel.4.cloned.1.call-start
scs
__scs_entry_jumppad:
0x0: {  	(pc) =	sbr.rel $0x88, $3  }
0x1: {  	(tag) =	ssettag $0x0;
	lr =	simm.s32 $0x1  }
0x2: {  	[smem:$0x3F9F] =	sst lr;
	_ =	strace $0xD0000000  }
0x3: {  	_ = 	snop  }
0x4: {  	_ = 	snop  }
0x5: {  	_ = 	snop  }
0x6: {  	_ = 	snop  }
0x7: {  	_ = 	snop  }
__scs_overlays_trampoline_lowered:
0x8: {  	[smem:$0x3FAE] =	sst s0  }
0x9: {  	[smem:$0x3FAF] =	sst s1  }
0xa: {  	[smem:$0x3FB0] =	sst s2  }
0xb: {  	[smem:$0x3FB1] =	sst s3  }
0xc: {  	[smem:$0x3FB2] =	sst s4  }
0xd: {  	[smem:$0x3FB3] =	sst s5  }
0xe: {  	[smem:$0x3FB4] =	sst s6  }
0xf: {  	[smem:$0x3FB5] =	sst s7  }
0x10: {  	[smem:$0x3FB6] =	sst s8  }
0x11: {  	[smem:$0x3FB7] =	sst s9;
	s0 =	simm.s32 @!p0 $0x0  }
0x12: {  	s1 =	sld [smem:$0x3F9D];
	s0 =	simm.s32 @p0 $0x1  }
0x13: {  	[smem:$0x3FB8] =	sst s0;
	s0 =	simm.s32 @!p1 $0x0  }
0x14: {  	s2 =	sld [smem:$0x3F9C];
	s0 =	simm.s32 @p1 $0x1  }
0x15: {  	[smem:$0x3FB9] =	sst s0;
	s0 =	simm.s32 @!p2 $0x0  }
0x16: {  	s3 =	sld [smem:$0x3FDB];
	s0 =	simm.s32 @p2 $0x1  }
0x17: {  	s4 =	simm.s32 $0x1BF5;
	[smem:$0x3FBB] =	sst s0  }
0x18: {  	s0 =	sld [smem:$0x3F9E];
	_ =	swait.ge [sflag:s4], $0x0  }
0x19: {  	s7 =	sld [smem:$0x3F9F]  }
0x1a: {  	s8 =	sadd.s32 $0xFFFFE003, lr  }
0x1b: {  	s9 =	sadd.s32 $0xFFFFFEF7, lr;
	s5 =	simm.s32 $0xFFFFFFFF;
	p2 =	slt.u32 s8, $0xFFFFF086  }
0x1c: {  	p1 =	slt.u32 s9, $0xF7A;
	s5 =	simm.s32 @!p2 $0x0  }
0x1d: {  	s5 =	simm.s32 @p1 $0x1;
	p0 =	seq.s32 s7, s2  }
0x1e: {  	s7 =	smul.u32 @!p0 $0xF7A, s2;
	p2 =	seq.s32 @!p0 s5, $0x0  }
0x1f: {  	s9 =	smul.u32 $0xF7A, s1;
	s8 =	simm.s32 @!p0 $0x1BF5;
	p2 =	por !p2, p0  }
0x20: {  	[sflag:s8] =	ssyncset.s32 @!p0 $0xFFFFF086;
	s6 =	sadd.s32 @!p0 s3, s7;
	s7 =	simm.s32 @!p0 $0x108  }
0x21: {  	s3 =	sadd.s32 s3, s9;
	s6 =	sadd.s32 @!p0 $0x88, s6;
	s7 =	simm.s32 @p2 $0x1082  }
0x22: {  	[simem:s7], [sflag:s8] =	dma.local @!p0 [hbm:s6], $0xF7A  }
0x23: {  	s9 =	sor.u32 $0xD0000000, s2;
	s6 =	simm.s32 $0x108;
	_ =	swait.ge @!p0 [sflag:s8], $0x0  }
0x24: {  	s3 =	sadd.s32 $0x88, s3;
	s6 =	simm.s32 @!p1 $0x1082;
	[sflag:s4] =	ssyncset.s32 $0xFFFFF086  }
0x25: {  	[simem:s6], [sflag:s4] =	dma.local [hbm:s3], $0xF7A  }
0x26: {  	[smem:$0x3F9F] =	sst s1;
	(tag) =	ssettag s2;
	_ =	strace s9  }
0x27: {  	s1 =	sld [smem:$0x3FAF]  }
0x28: {  	s2 =	sld [smem:$0x3FB0]  }
0x29: {  	s4 =	sld [smem:$0x3FB2]  }
0x2a: {  	p0 =	seq.s32 s5, $0x0;
	s5 =	sld [smem:$0x3FB3]  }
0x2b: {  	s6 =	sld [smem:$0x3FB4]  }
0x2c: {  	s7 =	sld [smem:$0x3FB5]  }
0x2d: {  	s3 =	simm.s32 $0x108;
	s8 =	sld [smem:$0x3FB6]  }
0x2e: {  	s3 =	simm.s32 @!p0 $0x1082;
	s9 =	sld [smem:$0x3FB7]  }
0x2f: {  	lr =	sadd.s32 s0, s3;
	s0 =	sld [smem:$0x3FAE]  }
0x30: {  	s3 =	sld [smem:$0x3FB1]  }
0x31: {  	[smem:$0x3FBA] =	sst s10  }
0x32: {  	s10 =	sld [smem:$0x3FB8];
	_ =	sdelay $0x3  }
0x33: {  	p0 =	seq.s32 s10, $0x1;
	s10 =	sld [smem:$0x3FBA];
	_ =	sdelay $0x3  }
0x34: {  	[smem:$0x3FBA] =	sst s10  }
0x35: {  	s10 =	sld [smem:$0x3FB9];
	_ =	sdelay $0x3  }
0x36: {  	p1 =	seq.s32 s10, $0x1;
	s10 =	sld [smem:$0x3FBA];
	_ =	sdelay $0x3  }
0x37: {  	[smem:$0x3FBA] =	sst s10  }
0x38: {  	s10 =	sld [smem:$0x3FBB]  }
0x39: {  	_ = 	snop;
	(pc) =	sbr.ind lr, $3  }
0x3a: {  	_ = 	snop  }
0x3b: {  	_ = 	snop  }
0x3c: {  	p2 =	seq.s32 s10, $0x1;
	s10 =	sld [smem:$0x3FBA]  }
0x3d: {  	_ =	shalt  }
0x3e: {  	_ =	shalt  }
0x3f: {  	_ =	shalt  }
0x40: {  	_ =	shalt  }
0x41: {  	_ =	shalt  }
0x42: {  	_ =	shalt  }
0x43: {  	_ =	shalt  }
0x44: {  	_ =	shalt  }
0x45: {  	_ =	shalt  }
0x46: {  	_ =	shalt  }
0x47: {  	_ =	shalt  }
0x48: {  	_ =	shalt  }
0x49: {  	_ =	shalt  }
0x4a: {  	_ =	shalt  }
0x4b: {  	_ =	shalt  }
0x4c: {  	_ =	shalt  }
0x4d: {  	_ =	shalt  }
0x4e: {  	_ =	shalt  }
0x4f: {  	_ =	shalt  }
0x50: {  	_ =	shalt  }
0x51: {  	_ =	shalt  }
0x52: {  	_ =	shalt  }
0x53: {  	_ =	shalt  }
0x54: {  	_ =	shalt  }
0x55: {  	_ =	shalt  }
0x56: {  	_ =	shalt  }
0x57: {  	_ =	shalt  }
0x58: {  	_ =	shalt  }
0x59: {  	_ =	shalt  }
0x5a: {  	_ =	shalt  }
0x5b: {  	_ =	shalt  }
0x5c: {  	_ =	shalt  }
0x5d: {  	_ =	shalt  }
0x5e: {  	_ =	shalt  }
0x5f: {  	_ =	shalt  }
0x60: {  	_ =	shalt  }
0x61: {  	_ =	shalt  }
0x62: {  	_ =	shalt  }
0x63: {  	_ =	shalt  }
0x64: {  	_ =	shalt  }
0x65: {  	_ =	shalt  }
0x66: {  	_ =	shalt  }
0x67: {  	_ =	shalt  }
0x68: {  	_ =	shalt  }
0x69: {  	_ =	shalt  }
0x6a: {  	_ =	shalt  }
0x6b: {  	_ =	shalt  }
0x6c: {  	_ =	shalt  }
0x6d: {  	_ =	shalt  }
0x6e: {  	_ =	shalt  }
0x6f: {  	_ =	shalt  }
0x70: {  	_ =	shalt  }
0x71: {  	_ =	shalt  }
0x72: {  	_ =	shalt  }
0x73: {  	_ =	shalt  }
0x74: {  	_ =	shalt  }
0x75: {  	_ =	shalt  }
0x76: {  	_ =	shalt  }
0x77: {  	_ =	shalt  }
0x78: {  	_ =	shalt  }
0x79: {  	_ =	shalt  }
0x7a: {  	_ =	shalt  }
0x7b: {  	_ =	shalt  }
0x7c: {  	_ =	shalt  }
0x7d: {  	_ =	shalt  }
0x7e: {  	_ =	shalt  }
0x7f: {  	_ =	shalt  }
0x80: {  	_ =	shalt  }
0x81: {  	_ =	shalt  }
0x82: {  	_ =	shalt  }
0x83: {  	_ =	shalt  }
0x84: {  	_ =	shalt  }
0x85: {  	_ =	shalt  }
0x86: {  	_ =	shalt  }
0x87: {  	_ =	shalt  }
.Lfunc_end0:
.L_simem_size_0:
called_computation.1_lowered:
.L_overlay_start_0:
0x88: {  	s2 =	sld [smem:$0x3FD9]  }
0x89: {  	s3 =	sld [smem:$0x3FFE];
	_ =	sdelay $0x1  }
0x8a: {  	s1 =	srdreg.scid  }
0x8b: {  	s0 =	sand.u32 $0x1, s1  }
0x8c: {  	s16 =	sshll.u32 s0, $0xA;
	s2 =	sadd.s32 s3, s2  }
0x8d: {  	s2 =	sadd.s32 s2, s16  }
0x8e: {  	[smem:$0x3FC6] =	sst s2  }
0x8f: {  	_ = 	snop  }
0x90: {  	(tm) =	ssettm $0x1  }
0x91: {  	s17 =	sld [smem:$0x3FFB];
	_ =	sdelay $0x3  }
0x92: {  	_ =	strace s17  }
0x93: {  	s2 =	sld [smem:$0x3FFC];
	_ =	sdelay $0x3  }
0x94: {  	_ =	strace s2  }
0x95: {  	s2 =	sld [smem:$0x3FFD];
	_ =	sdelay $0x3  }
0x96: {  	_ =	strace s2  }
0x97: {  	_ =	strace $0x8FFFFFFF  }
0x98: {  	s18 =	sld [smem:$0x3FDB];
	_ =	sdelay $0x1  }
0x99: {  	s19 =	simm.s32 $_scs_section_size  }
0x9a: {  	s4 =	simm.s32 $_size__tile_overlayer_lowered;
	s5 =	simm.s32 $_tile_overlayer_lowered  }
0x9b: {  	s22 =	simm.s32 $0x1BFF;
	s21 =	sshll.u32 s5, $0x1;
	s2 =	sadd.s32 s19, s18  }
0x9c: {  	s6 =	simm.s32 $0x0;
	s20 =	sshll.u32 s4, $0x1;
	s4 =	sadd.s32 s21, s2  }
0x9d: {  	[timem:s6], [sflag:s22] =	dma.local [hbm:s4], s20  }
0x9e: {  	_ =	swait.ge [sflag:s22], s20  }
0x9f: {  	s3 =	ssub.s32 $0x0, s20;
	[sflag:s22] =	ssyncset.done $0x0  }
0xa0: {  	[sflag:s22] =	ssyncadd.s32 s3;
	_ =	sdelay $0x1  }
0xa1: {  	s23 =	simm.s32 $0x1B8B  }
0xa2: {  	_ =	swait.ge [sflag:s23], $0x1  }
0xa3: {  	[sflag:s23] =	ssyncset.done $0x0  }
0xa4: {  	s25 =	simm.s32 $0x1B8E;
	s24 =	sld [smem:$0x3FFE];
	[sflag:s23] =	ssyncadd.s32 $0xFFFFFFFF  }
0xa5: {  	s26 =	simm.s32 $execute0_lowered;
	[smem:$0x3FD2] =	sst s25  }
0xa6: {  	s4 =	sshll.u32 s26, $0x1;
	_ =	strace $0x80000049;
	[dreg:$0x1] =	wrdreg $0xFFFFFFFF  }
0xa7: {  	s28 =	simm.s32 $_size_execute0_lowered;
	s2 =	sadd.s32 s2, s4;
	[dreg:$0x0] =	wrdreg $0x0  }
0xa8: {  	s4 =	sshll.u32 s28, $0x1;
	[dreg:$0x2] =	wrdreg s2  }
0xa9: {  	[dreg:$0x3] =	wrdreg s4  }
0xaa: {  	[dreg:$0x4] =	wrdreg $0xC0  }
0xab: {  	_ =	task [dreg:s6], $0x5FFFF  }
0xac: {  	[dreg:$0x1] =	wrdreg $0xFFFFFFFF  }
0xad: {  	[dreg:$0x0] =	wrdreg $0x60  }
0xae: {  	[dreg:$0x2] =	wrdreg s24  }
0xaf: {  	[dreg:$0x3] =	wrdreg $0x9  }
0xb0: {  	_ =	task.clear_ibuf [dreg:s6], $0x4FFFF;
	_ =	strace $0x90000049  }
0xb1: {  	s29 =	simm.s32 $0x9;
	_ =	strace $0x8000004B  }
0xb2: {  	_ =	swait.ge [sflag:s29], $0x1  }
0xb3: {  	[sflag:s29] =	ssyncadd.s32 $0xFFFFFFFF  }
0xb4: {  	_ =	strace $0x9000004B  }
0xb5: {  	_ =	sfence  }
0xb6: {  	s30 =	sld [smem:$0x0];
	_ =	sdelay $0x2  }
0xb7: {  	s31 =	sshll.u32 s1, $0xD;
	s1 =	sshrl.u32 s1, $0x2  }
0xb8: {  	s3 =	sand.u32 $0x4000, s31;
	s1 =	sadd.s32 s1, s30  }
0xb9: {  	s0 =	sor.u32 s3, s0;
	s1 =	sshll.u32 s1, $0x11  }
0xba: {  	s0 =	sor.u32 s1, s0  }
0xbb: {  	s0 =	sadd.s32 $0x8F2B, s0  }
0xbc: {  	[sflag:s0] =	ssyncadd.remote.s32 $0x1  }
0xbd: {  	_ =	sfence.sel $0xFFFF  }
0xbe: {  	[dreg:$0x0] =	wrdreg $0xFFFFFFFF;
	(pc) =	sbr.abs _section_cstart, $3  }
0xbf: {  	[dreg:$0x1] =	wrdreg $0xFFFFFFFF  }
0xc0: {  	_ =	task.clear_ibuf [dreg:s6], $0x2FFFF;
	_ =	strace $0x9FFFFFFF  }
0xc1: {  	(tm) =	ssettm $0x7FFFFFFF  }
tec
execute0_lowered:
.L_overlay_start_1:
0x0: {  	(tag) =	ssettag $0x1  }
0x1: {  	s1 =	srdreg.scid;
	s0 =	stileid.u32  }
0x2: {  	s5 =	rddreg [dreg:$0x0];
	s2 =	simm.s32 $0x0;
	s12 =	simm.s32 $0x80  }
0x3: {  	s13 =	simm.s32 $0x400;
	s14 =	simm.s32 $0x4;
	s15 =	simm.s32 $0x10000  }
0x4: {  	s16 =	simm.s32 $0x14000;
	s17 =	simm.s32 $0x1;
	s18 =	simm.s32 $0x18000  }
0x5: {  	s19 =	simm.s32 $0x2;
	s20 =	simm.s32 $0x3;
	s21 =	simm.s32 $0x18880  }
0x6: {  	s22 =	simm.s32 $0x0;
	s6 =	sand.u32 $0x1, s1;
	s1 =	rddreg [dreg:$0x1]  }
0x7: {  	s3 =	sshll.u32 s0, $0x1;
	[smem:$0x7FF] =	sst s2;
	s7 =	sshrl.u32 s0, $0x1  }
0x8: {  	s10 =	sor.u32 s6, s3;
	_ =	strace $0x8000004A;
	s9 =	smul.u32 $0x4C0000, s7  }
0x9: {  	s6 =	ssub.s32 $0x2, s6;
	s7 =	smul.u32 $0x13, s7;
	s4 =	sshll.u32 s10, $0x10  }
0xa: {  	s3 =	sshll.u32 s10, $0x7;
	s11 =	sshrl.u32 s6, $0x1;
	s10 =	smul.u32 $0x13, s10  }
.Ltmp0:
0xb: {  	s3 =	sor.u32 s3, s4;
	s4 =	sand.u32 $0x30000, s4;
	(pc) =	sbr.rel .LBB2_1-.Ltmp0, $4  }
0xc: {  	s11 =	ssub.s32 s6, s11;
	s8 =	sand.u32 $0x180380, s3;
	s9 =	sor.u32 s9, s4  }
0xd: {  	s3 =	sadd.s32 $0xE00, s5;
	s8 =	sshrl.u32 s8, $0x3;
	s9 =	sshrl.u32 s9, $0x3  }
0xe: {  	s8 =	sadd.s32 s8, s5;
	s5 =	sadd.s32 $0x500E00, s5;
	s6 =	sadd.s32 s3, s9  }
0xf: {  	v0 =	vimm.s32 $0x0;
	v1 =	vimm.s32 $0x1;
	s11 =	smax.u32 s11, $0x1;
	s8 =	sadd.s32 $0x4C0E00, s8;
	s9 =	sadd.s32 $0x800, s6  }
.LBB2_16:
0x10: {  	s22 =	sadd.s32 $0x1, s22  }
0x11: {  	p0 =	sne.s32 s22, s11  }
.Ltmp1:
0x12: {  	_ = 	snop;
	(pc) =	sbr.rel @!p0 .LBB2_17-.Ltmp1, $4  }
0x13: {  	_ = 	snop  }
0x14: {  	_ =	swait.ge [sflag:s20], $0x1000  }
0x15: {  	[sflag:s20] =	ssyncset.done $0x0  }
0x16: {  	[sflag:s20] =	ssyncadd.s32 $0xFFFFF000  }
.LBB2_1:
0x17: {  	[tilespmem:s2], [sflag:$0x4] =	stream.strided.gather [hbm4b:s8+s12], $0x10000, s13, s12, $0x38;
	[tilespmem:$0x19880] =	vst v63  }
0x18: {  	_ =	swait.ge [sflag:s14], $0x10000  }
0x19: {  	[sflag:s14] =	ssyncset.done $0x0  }
0x1a: {  	s23 =	simm.s32 $0x18040;
	[sflag:s14] =	ssyncadd.s32 $0xFFFF0000  }
0x1b: {  	[tilespmem:s23+$0xFFFFFFC0] =	vst v0  }
0x1c: {  	[tilespmem:s23+$0x30] =	vst v0  }
0x1d: {  	[tilespmem:s23+$0x20] =	vst v0  }
0x1e: {  	[tilespmem:s23+$0x10] =	vst v0  }
0x1f: {  	[tilespmem:s23+$0x0] =	vst v0  }
0x20: {  	[tilespmem:s23+$0xFFFFFFF0] =	vst v0  }
0x21: {  	s24 =	simm.s32 $0x0;
	[tilespmem:s23+$0xFFFFFFE0] =	vst v0  }
.LBB2_2:
0x22: {  	s24 =	sadd.s32 $0x8, s24;
	[tilespmem:s23+$0xFFFFFFD0] =	vst v0;
	s23 =	sadd.s32 $0x80, s23  }
0x23: {  	[tilespmem:s23+$0xFFFFFFC0] =	vst v0;
	p0 =	slt.u32 s24, $0x78  }
0x24: {  	[tilespmem:s23+$0x30] =	vst v0  }
.Ltmp2:
0x25: {  	[tilespmem:s23+$0x20] =	vst v0;
	(pc) =	sbr.rel @p0 .LBB2_2-.Ltmp2, $4  }
0x26: {  	[tilespmem:s23+$0x10] =	vst v0  }
0x27: {  	[tilespmem:s23+$0x0] =	vst v0  }
0x28: {  	[tilespmem:s23+$0xFFFFFFF0] =	vst v0  }
0x29: {  	[tilespmem:s23+$0xFFFFFFE0] =	vst v0  }
.Ltmp3:
0x2a: {  	(pc) =	sbr.rel .LBB2_4-.Ltmp3, $4  }
0x2b: {  	[tilespmem:s23+$0xFFFFFFD0] =	vst v0;
	s23 =	simm.s32 $0x0  }
0x2c: {  	[tilespmem:s15], [sflag:$0x1] =	stream.linear.gather [hbm4b:s6+s23], $0x4000, $0x38;
	[tilespmem:$0x19880] =	vst v63  }
0x2d: {  	p0 =	por $0x0, $0x0  }
0x2e: {  	[tilespmem:s16], [sflag:$0x2] =	stream.linear.gather [hbm4b:s9+s23], $0x4000, $0x38;
	[tilespmem:$0x19880] =	vst v63  }
.LBB2_15:
0x2f: {  	s23 =	sadd.s32 $0x1, s23  }
0x30: {  	p1 =	sne.s32 s23, $0x26  }
.Ltmp4:
0x31: {  	_ = 	snop;
	(pc) =	sbr.rel @!p1 .LBB2_16-.Ltmp4, $2  }
0x32: {  	_ =	sdelay $0x2  }
0x33: {  	p0 =	por !p0, !p0  }
.LBB2_4:
0x34: {  	_ =	swait.ge [sflag:s17], $0x4000  }
0x35: {  	[sflag:s17] =	ssyncset.done $0x0  }
0x36: {  	s28 =	simm.s32 $0x10040;
	[sflag:s17] =	ssyncadd.s32 $0xFFFFC000  }
0x37: {  	v2 =	vld [tilespmem:s28+$0x30]  }
0x38: {  	v4 =	vld [tilespmem:s28+$0xFFFFFFD0]  }
0x39: {  	v5 =	vld [tilespmem:s28+$0xFFFFFFE0]  }
0x3a: {  	s24 =	simm.s32 $0x1;
	v6 =	vld [tilespmem:s28+$0xFFFFFFF0]  }
0x3b: {  	s24 =	simm.s32 @!p0 $0x0;
	v7 =	vld [tilespmem:s28+$0x0]  }
0x3c: {  	s26 =	sshll.u32 s24, $0xF;
	v9 =	vld [tilespmem:s28+$0x10]  }
0x3d: {  	s25 =	sor.u32 $0x40, s26;
	v12 =	vld [tilespmem:s28+$0x20]  }
0x3e: {  	v3 =	vld [tilespmem:s25+$0x30]  }
0x3f: {  	v13 =	vld [tilespmem:s28+$0xFFFFFFC0];
	v8 =	vsub.f32 $2.000000000e+00, v2  }
0x40: {  	v15 =	vld [tilespmem:s25+$0xFFFFFFC0];
	v10 =	vadd.f32 $1.000000000e+00, v2;
	v11 =	vsub.f32 $2.000000000e+00, v4  }
0x41: {  	s24 =	sshrl.u32 s23, $0x1;
	v17 =	vld [tilespmem:s25+$0xFFFFFFD0];
	v4 =	vadd.f32 $1.000000000e+00, v4;
	v14 =	vsub.f32 $2.000000000e+00, v5  }
0x42: {  	v22 =	vld [tilespmem:s25+$0x0];
	v2 =	vmov s24;
	v5 =	vadd.f32 $1.000000000e+00, v5;
	v16 =	vsub.f32 $2.000000000e+00, v6  }
0x43: {  	v62 =	vld [tilespmem:s25+$0x10];
	v6 =	vadd.f32 $1.000000000e+00, v6;
	v18 =	vsub.f32 $2.000000000e+00, v7;
	vm0 =	veq.s32 v3, v2  }
0x44: {  	v7 =	vadd.f32 $1.000000000e+00, v7;
	v19 =	vadd.f32 $1.000000000e+00, v9;
	v3 =	vsel vm0, v8, v10;
	v8 =	vld [tilespmem:s25+$0xFFFFFFE0]  }
0x45: {  	v20 =	vsub.f32 $2.000000000e+00, v12;
	v10 =	vsub.f32 $2.000000000e+00, v9;
	v9 =	vld [tilespmem:s25+$0xFFFFFFF0];
	v3 =	vshra.s32 v3, $0xC  }
0x46: {  	v21 =	vadd.s32 $0xFFFC0800, v3;
	v3 =	vsub.f32 $2.000000000e+00, v13;
	v13 =	vadd.f32 $1.000000000e+00, v13  }
0x47: {  	v12 =	vadd.f32 $1.000000000e+00, v12;
	v23 =	vsel vm0, $0x2001, v1;
	vm0 =	veq.s32 v15, v2  }
0x48: {  	v13 =	vsel vm0, v3, v13;
	v3 =	vsel vm0, $0x2001, v1;
	vm0 =	veq.s32 v17, v2  }
0x49: {  	vm3 =	veq.s32 v22, v2;
	vm4 =	veq.s32 v62, v2;
	v4 =	vsel vm0, v11, v4;
	v11 =	vld [tilespmem:s25+$0x20]  }
0x4a: {  	v13 =	vshra.s32 v13, $0xC;
	vm2 =	veq.s32 v8, v2;
	vm1 =	veq.s32 v9, v2  }
0x4b: {  	v4 =	vshra.s32 v4, $0xC;
	v5 =	vsel vm2, v14, v5;
	v6 =	vsel vm1, v16, v6  }
0x4c: {  	v8 =	vadd.s32 $0xFFFC0800, v13;
	v5 =	vshra.s32 v5, $0xC;
	v63 =	vshra.s32 v6, $0xC  }
0x4d: {  	v6 =	vsel vm3, v18, v7;
	v9 =	vadd.s32 $0xFFFC0800, v4;
	v7 =	vsel vm4, v10, v19  }
0x4e: {  	v4 =	vshra.s32 v6, $0xC;
	v6 =	vadd.s32 $0xFFFC0800, v5;
	vm5 =	veq.s32 v11, v2  }
0x4f: {  	v5 =	vadd.s32 $0xFFFC0800, v63;
	v10 =	vshra.s32 v7, $0xC;
	v11 =	vsel vm5, v20, v12  }
0x50: {  	s29 =	simm.s32 $0x100C0;
	s28 =	simm.s32 $0x0;
	[tilespmem:v21+s18+$0x0] =	vst.idx.add.s32.msk $0xffff, v23;
	v7 =	vadd.s32 $0xFFFC0800, v4;
	v4 =	vadd.s32 $0xFFFC0800, v10;
	v10 =	vshra.s32 v11, $0xC  }
.LBB2_5:
0x51: {  	v11 =	vld [tilespmem:s29+$0x30];
	s28 =	sadd.s32 $0x8, s28;
	v12 =	vsel vm0, $0x2001, v1;
	v13 =	vsel vm2, $0x2001, v1;
	v14 =	vadd.s32 $0xFFFC0800, v10;
	s25 =	sadd.s32 $0x80, s25  }
0x52: {  	v15 =	vsel vm1, $0x2001, v1;
	v16 =	vsel vm3, $0x2001, v1;
	v17 =	vsel vm4, $0x2001, v1;
	v10 =	vld [tilespmem:s25+$0x30];
	p1 =	slt.u32 s28, $0x3F8  }
0x53: {  	v19 =	vsel vm5, $0x2001, v1;
	v18 =	vld [tilespmem:s29+$0xFFFFFFD0]  }
0x54: {  	v20 =	vld [tilespmem:s29+$0xFFFFFFE0]  }
0x55: {  	v21 =	vld [tilespmem:s29+$0xFFFFFFF0]  }
0x56: {  	v22 =	vld [tilespmem:s29+$0x0];
	v23 =	vsub.f32 $2.000000000e+00, v11;
	v11 =	vadd.f32 $1.000000000e+00, v11  }
0x57: {  	v24 =	vld [tilespmem:s29+$0x10];
	vm0 =	veq.s32 v10, v2  }
0x58: {  	v10 =	vsub.f32 $2.000000000e+00, v18;
	v18 =	vadd.f32 $1.000000000e+00, v18;
	v25 =	vld [tilespmem:s29+$0x20];
	v11 =	vsel vm0, v23, v11  }
0x59: {  	v23 =	vld [tilespmem:s29+$0xFFFFFFC0];
	v26 =	vsub.f32 $2.000000000e+00, v20;
	v20 =	vadd.f32 $1.000000000e+00, v20;
	v11 =	vshra.s32 v11, $0xC  }
0x5a: {  	v27 =	vld [tilespmem:s25+$0xFFFFFFC0];
	v28 =	vsub.f32 $2.000000000e+00, v21;
	v21 =	vadd.f32 $1.000000000e+00, v21;
	v11 =	vadd.s32 $0xFFFC0800, v11  }
0x5b: {  	v29 =	vld [tilespmem:s25+$0xFFFFFFD0];
	v30 =	vsub.f32 $2.000000000e+00, v22;
	v22 =	vadd.f32 $1.000000000e+00, v22  }
0x5c: {  	v31 =	vld [tilespmem:s25+$0xFFFFFFE0];
	v32 =	vsub.f32 $2.000000000e+00, v24;
	v24 =	vadd.f32 $1.000000000e+00, v24  }
0x5d: {  	v33 =	vld [tilespmem:s25+$0xFFFFFFF0];
	v34 =	vsub.f32 $2.000000000e+00, v25;
	v25 =	vadd.f32 $1.000000000e+00, v25  }
0x5e: {  	v37 =	vsel vm0, $0x2001, v1;
	v35 =	vsub.f32 $2.000000000e+00, v23;
	v23 =	vadd.f32 $1.000000000e+00, v23;
	v36 =	vld [tilespmem:s25+$0x0]  }
0x5f: {  	vm0 =	veq.s32 v27, v2;
	[tilespmem:v11+s18+$0x0] =	vst.idx.add.s32.msk $0xffff, v37  }
0x60: {  	v11 =	vsel vm0, v35, v23;
	v23 =	vsel vm0, $0x2001, v1;
	vm0 =	veq.s32 v29, v2;
	v27 =	vld [tilespmem:s25+$0x10]  }
0x61: {  	v11 =	vshra.s32 v11, $0xC;
	v10 =	vsel vm0, v10, v18;
	vm2 =	veq.s32 v31, v2;
	v18 =	vld [tilespmem:s25+$0x20]  }
0x62: {  	v10 =	vshra.s32 v10, $0xC;
	v20 =	vsel vm2, v26, v20;
	vm1 =	veq.s32 v33, v2;
	[tilespmem:v8+s18+$0x0] =	vst.idx.add.s32.msk $0xffff, v3  }
0x63: {  	v20 =	vshra.s32 v20, $0xC;
	v21 =	vsel vm1, v28, v21;
	vm3 =	veq.s32 v36, v2;
	[tilespmem:v9+s18+$0x0] =	vst.idx.add.s32.msk $0xffff, v12  }
.Ltmp5:
0x64: {  	v8 =	vadd.s32 $0xFFFC0800, v11;
	v3 =	vmovc v23;
	v11 =	vshra.s32 v21, $0xC;
	v12 =	vsel vm3, v30, v22;
	[tilespmem:v6+s18+$0x0] =	vst.idx.add.s32.msk $0xffff, v13;
	(pc) =	sbr.rel @p1 .LBB2_5-.Ltmp5, $4  }
0x65: {  	v9 =	vadd.s32 $0xFFFC0800, v10;
	v10 =	vshra.s32 v12, $0xC;
	vm4 =	veq.s32 v27, v2;
	[tilespmem:v5+s18+$0x0] =	vst.idx.add.s32.msk $0xffff, v15  }
0x66: {  	v6 =	vadd.s32 $0xFFFC0800, v20;
	v12 =	vsel vm4, v32, v24;
	vm5 =	veq.s32 v18, v2;
	[tilespmem:v7+s18+$0x0] =	vst.idx.add.s32.msk $0xffff, v16  }
0x67: {  	v5 =	vadd.s32 $0xFFFC0800, v11;
	v11 =	vshra.s32 v12, $0xC;
	v12 =	vsel vm5, v34, v25;
	[tilespmem:v4+s18+$0x0] =	vst.idx.add.s32.msk $0xffff, v17  }
0x68: {  	s29 =	sadd.s32 $0x80, s29;
	v7 =	vadd.s32 $0xFFFC0800, v10;
	v4 =	vadd.s32 $0xFFFC0800, v11;
	v10 =	vshra.s32 v12, $0xC;
	[tilespmem:v14+s18+$0x0] =	vst.idx.add.s32.msk $0xffff, v19  }
0x69: {  	_ =	sdelay $0x1  }
0x6a: {  	s25 =	sshll.u32 s23, $0x1;
	p1 =	seq.s32 s23, $0x25  }
0x6b: {  	s28 =	sadd.s32 @!p1 $0x2, s25  }
0x6c: {  	v11 =	vsel vm0, $0x2001, v1;
	[tilespmem:v8+s18+$0x0] =	vst.idx.add.s32.msk $0xffff, v3;
	s29 =	sshrl.u32 @!p1 s28, $0x2  }
0x6d: {  	v3 =	vsel vm2, $0x2001, v1;
	v8 =	vadd.s32 $0xFFFC0800, v10;
	[tilespmem:v9+s18+$0x0] =	vst.idx.add.s32.msk $0xffff, v11;
	s28 =	sshll.u32 @!p1 s28, $0xE;
	s29 =	sadd.s32 @!p1 s7, s29  }
0x6e: {  	v9 =	vsel vm1, $0x2001, v1;
	[tilespmem:v6+s18+$0x0] =	vst.idx.add.s32.msk $0xffff, v3;
	s28 =	sand.u32 @!p1 $0x8000, s28;
	s29 =	sshll.u32 @!p1 s29, $0x12  }
0x6f: {  	v3 =	vsel vm3, $0x2001, v1;
	[tilespmem:v5+s18+$0x0] =	vst.idx.add.s32.msk $0xffff, v9;
	s28 =	sor.u32 @!p1 s28, s29  }
0x70: {  	v5 =	vsel vm4, $0x2001, v1;
	[tilespmem:v7+s18+$0x0] =	vst.idx.add.s32.msk $0xffff, v3;
	s28 =	sor.u32 @!p1 s4, s28  }
0x71: {  	v3 =	vsel vm5, $0x2001, v1;
	[tilespmem:v4+s18+$0x0] =	vst.idx.add.s32.msk $0xffff, v5;
	s28 =	sshrl.u32 @!p1 s28, $0x3  }
0x72: {  	s30 =	simm.s32 @!p1 $0x10000;
	[tilespmem:v8+s18+$0x0] =	vst.idx.add.s32.msk $0xffff, v3;
	s29 =	simm.s32 @!p1 $0x0;
	s28 =	sadd.s32 @!p1 s3, s28  }
0x73: {  	v3 =	vmov s26;
	[tilespmem:s30], [sflag:$0x1] =	stream.linear.gather @!p1 [hbm4b:s28+s29], $0x4000, $0x38;
	[tilespmem:$0x19880] =	vst v63  }
0x74: {  	_ =	swait.ge [sflag:s19], $0x4000  }
0x75: {  	[sflag:s19] =	ssyncset.done $0x0  }
0x76: {  	s30 =	simm.s32 $0x0;
	[sflag:s19] =	ssyncadd.s32 $0xFFFFC000  }
0x77: {  	v4 =	vld [tilespmem:s30+$0x14070]  }
0x78: {  	v5 =	vld.idx.msk [tilespmem:v3+s30+$0x4070 ss:$0x1], $0xffff  }
0x79: {  	v6 =	vld [tilespmem:s30+$0x14000]  }
0x7a: {  	v7 =	vld [tilespmem:s30+$0x14010]  }
0x7b: {  	v8 =	vld [tilespmem:s30+$0x14020]  }
0x7c: {  	v9 =	vld [tilespmem:s30+$0x14030]  }
0x7d: {  	v10 =	vld [tilespmem:s30+$0x14040]  }
0x7e: {  	v12 =	vld [tilespmem:s30+$0x14050]  }
0x7f: {  	v16 =	vld.idx.msk [tilespmem:v3+s30+$0x4010 ss:$0x1], $0xffff;
	v11 =	vsub.f32 $2.000000000e+00, v4;
	v4 =	vadd.f32 $1.000000000e+00, v4  }
0x80: {  	v18 =	vld.idx.msk [tilespmem:v3+s30+$0x4020 ss:$0x1], $0xffff;
	v13 =	vsub.f32 $2.000000000e+00, v6;
	v6 =	vadd.f32 $1.000000000e+00, v6  }
0x81: {  	s31 =	simm.s32 $0x80;
	v20 =	vld.idx.msk [tilespmem:v3+s30+$0x4030 ss:$0x1], $0xffff;
	v14 =	vsub.f32 $2.000000000e+00, v7;
	v7 =	vadd.f32 $1.000000000e+00, v7  }
0x82: {  	v53 =	vld [tilespmem:s31+$0x14010];
	v15 =	vsub.f32 $2.000000000e+00, v8;
	v8 =	vadd.f32 $1.000000000e+00, v8  }
0x83: {  	v59 =	vld [tilespmem:s31+$0x14050];
	v17 =	vsub.f32 $2.000000000e+00, v9;
	v9 =	vadd.f32 $1.000000000e+00, v9  }
0x84: {  	v19 =	vsub.f32 $2.000000000e+00, v10;
	v10 =	vadd.f32 $1.000000000e+00, v10  }
0x85: {  	v40 =	vld.idx.msk [tilespmem:v3+s31+$0x4050 ss:$0x1], $0xffff;
	vm0 =	veq.s32 v5, v2;
	v21 =	vsub.f32 $2.000000000e+00, v12;
	v12 =	vadd.f32 $1.000000000e+00, v12  }
0x86: {  	v22 =	vld.idx.msk [tilespmem:v3+s30+$0x4040 ss:$0x1], $0xffff;
	vm2 =	veq.s32 v16, v2;
	vm4 =	veq.s32 v18, v2;
	v4 =	vsel vm0, v11, v4  }
0x87: {  	vm5 =	veq.s32 v20, v2;
	v25 =	vsub.f32 $2.000000000e+00, v53;
	v11 =	vld.idx.msk [tilespmem:v3+s30+$0x4000 ss:$0x1], $0xffff;
	v4 =	vshra.s32 v4, $0xC  }
0x88: {  	v24 =	vld.idx.msk [tilespmem:v3+s30+$0x4050 ss:$0x1], $0xffff;
	v16 =	vadd.f32 $1.000000000e+00, v53;
	v39 =	vsub.f32 $2.000000000e+00, v59;
	v4 =	vadd.s32 $0xFFFC0800, v4  }
0x89: {  	v5 =	vld [tilespmem:s30+$0x14060];
	v57 =	vsel vm2, $0x2001, v1;
	v58 =	vsel vm4, $0x2001, v1;
	v7 =	vsel vm2, v14, v7  }
0x8a: {  	v8 =	vsel vm4, v15, v8;
	v9 =	vsel vm5, v17, v9;
	v14 =	vld.idx.msk [tilespmem:v3+s31+$0x4070 ss:$0x1], $0xffff;
	vm4 =	veq.s32 v40, v2  }
0x8b: {  	v62 =	vld.idx.msk [tilespmem:v3+s31+$0x4060 ss:$0x1], $0xffff;
	v7 =	vshra.s32 v7, $0xC;
	v8 =	vshra.s32 v8, $0xC;
	v9 =	vshra.s32 v9, $0xC  }
0x8c: {  	v60 =	vld [tilespmem:s31+$0x14060];
	v7 =	vadd.s32 $0xFFFC0800, v7;
	vm1 =	veq.s32 v11, v2;
	v11 =	vsel vm0, $0x2001, v1  }
0x8d: {  	v8 =	vadd.s32 $0xFFFC0800, v8;
	v54 =	vadd.s32 $0xFFFC0800, v9;
	v6 =	vsel vm1, v13, v6;
	[tilespmem:v4+s18+$0x0] =	vst.idx.add.s32.msk $0xffff, v11  }
0x8e: {  	v23 =	vsub.f32 $2.000000000e+00, v5;
	v5 =	vadd.f32 $1.000000000e+00, v5;
	v4 =	vshra.s32 v6, $0xC;
	v6 =	vld.idx.msk [tilespmem:v3+s30+$0x4060 ss:$0x1], $0xffff  }
0x8f: {  	v9 =	vld [tilespmem:s31+$0x14030];
	vm0 =	veq.s32 v24, v2;
	vm2 =	veq.s32 v14, v2;
	v14 =	vsel vm5, $0x2001, v1  }
0x90: {  	vm5 =	veq.s32 v62, v2;
	v13 =	vsel vm1, $0x2001, v1;
	vm1 =	veq.s32 v22, v2;
	v11 =	vld [tilespmem:s31+$0x14070]  }
0x91: {  	v61 =	vld.idx.msk [tilespmem:v3+s31+$0x4000 ss:$0x1], $0xffff;
	v32 =	vsel vm0, $0x2001, v1;
	v22 =	vadd.f32 $1.000000000e+00, v59;
	v10 =	vsel vm1, v19, v10  }
0x92: {  	v31 =	vld.idx.msk [tilespmem:v3+s31+$0x4020 ss:$0x1], $0xffff;
	v15 =	vadd.s32 $0xFFFC0800, v4;
	v4 =	vsel vm0, v21, v12;
	v10 =	vshra.s32 v10, $0xC  }
0x93: {  	v4 =	vshra.s32 v4, $0xC;
	v55 =	vadd.s32 $0xFFFC0800, v10;
	v10 =	vld [tilespmem:s31+$0x14040];
	vm3 =	veq.s32 v6, v2  }
0x94: {  	v35 =	vld.idx.msk [tilespmem:v3+s31+$0x4030 ss:$0x1], $0xffff;
	v33 =	vsub.f32 $2.000000000e+00, v9;
	v56 =	vadd.s32 $0xFFFC0800, v4;
	v5 =	vsel vm3, v23, v5  }
0x95: {  	v12 =	vld [tilespmem:s31+$0x14000];
	v4 =	vshra.s32 v5, $0xC;
	v5 =	vsub.f32 $2.000000000e+00, v11;
	v11 =	vadd.f32 $1.000000000e+00, v11  }
0x96: {  	v28 =	vsel vm1, $0x2001, v1;
	v34 =	vadd.f32 $1.000000000e+00, v9;
	v9 =	vsub.f32 $2.000000000e+00, v60;
	v6 =	vld [tilespmem:s31+$0x14020]  }
0x97: {  	v38 =	vld.idx.msk [tilespmem:v3+s31+$0x4040 ss:$0x1], $0xffff;
	vm1 =	veq.s32 v31, v2;
	vm0 =	veq.s32 v61, v2;
	v5 =	vsel vm2, v5, v11  }
0x98: {  	[tilespmem:v54+s18+$0x0] =	vst.idx.add.s32.msk $0xffff, v14;
	v14 =	vsel vm4, v39, v22;
	v36 =	vsub.f32 $2.000000000e+00, v10;
	v5 =	vshra.s32 v5, $0xC  }
0x99: {  	v26 =	vld.idx.msk [tilespmem:v3+s31+$0x4010 ss:$0x1], $0xffff;
	v37 =	vadd.f32 $1.000000000e+00, v10;
	v10 =	vadd.f32 $1.000000000e+00, v60;
	v27 =	vadd.s32 $0xFFFC0800, v5  }
0x9a: {  	v14 =	vshra.s32 v14, $0xC;
	v11 =	vsub.f32 $2.000000000e+00, v12;
	v12 =	vadd.f32 $1.000000000e+00, v12  }
0x9b: {  	[tilespmem:v7+s18+$0x0] =	vst.idx.add.s32.msk $0xffff, v57;
	v4 =	vadd.s32 $0xFFFC0800, v4;
	v29 =	vsub.f32 $2.000000000e+00, v6;
	v30 =	vadd.f32 $1.000000000e+00, v6  }
0x9c: {  	[tilespmem:v8+s18+$0x0] =	vst.idx.add.s32.msk $0xffff, v58;
	v6 =	vsel vm2, $0x2001, v1;
	vm2 =	veq.s32 v35, v2;
	v5 =	vsel vm3, $0x2001, v1  }
0x9d: {  	v11 =	vsel vm0, v11, v12;
	v7 =	vsel vm2, v33, v34;
	vm3 =	veq.s32 v38, v2  }
0x9e: {  	v63 =	vshra.s32 v11, $0xC;
	[tilespmem:v27+s18+$0x0] =	vst.idx.add.s32.msk $0xffff, v6;
	v6 =	vsel vm0, $0x2001, v1;
	vm0 =	veq.s32 v26, v2  }
0x9f: {  	[tilespmem:v15+s18+$0x0] =	vst.idx.add.s32.msk $0xffff, v13;
	v12 =	vshra.s32 v7, $0xC;
	v8 =	vsel vm3, v36, v37;
	v11 =	vsel vm0, v25, v16  }
0xa0: {  	[tilespmem:v55+s18+$0x0] =	vst.idx.add.s32.msk $0xffff, v28;
	v7 =	vadd.s32 $0xFFFC0800, v63;
	v15 =	vshra.s32 v11, $0xC;
	v11 =	vsel vm1, v29, v30  }
0xa1: {  	s26 =	sand.u32 $0x2, s25;
	s28 =	simm.s32 $0x8;
	s29 =	simm.s32 $0x400;
	[tilespmem:v56+s18+$0x0] =	vst.idx.add.s32.msk $0xffff, v32;
	v13 =	vshra.s32 v8, $0xC;
	v11 =	vshra.s32 v11, $0xC;
	v8 =	vadd.s32 $0xFFFC0800, v15  }
.LBB2_7:
0xa2: {  	s30 =	sshra.s32 s29, $0x2;
	v15 =	vadd.s32 $0xFFFC0800, v11;
	v16 =	vadd.s32 $0xFFFC0800, v12;
	v9 =	vsel vm5, v9, v10;
	[tilespmem:v4+s18+$0x0] =	vst.idx.add.s32.msk $0xffff, v5  }
0xa3: {  	s28 =	sadd.s32 $0x8, s28;
	v17 =	vadd.s32 $0xFFFC0800, v13;
	v18 =	vadd.s32 $0xFFFC0800, v14;
	v10 =	vld [tilespmem:s30+$0x14070];
	v4 =	vshra.s32 v9, $0xC  }
0xa4: {  	v11 =	vsel vm0, $0x2001, v1;
	v12 =	vsel vm1, $0x2001, v1;
	p2 =	slt.u32 s28, $0x3F8;
	v9 =	vld.idx.msk [tilespmem:v3+s30+$0x4070 ss:$0x1], $0xffff;
	v4 =	vadd.s32 $0xFFFC0800, v4  }
0xa5: {  	v14 =	vsel vm2, $0x2001, v1;
	v19 =	vsel vm3, $0x2001, v1;
	v20 =	vsel vm4, $0x2001, v1;
	v13 =	vld [tilespmem:s30+$0x14000]  }
0xa6: {  	v5 =	vsel vm5, $0x2001, v1;
	v21 =	vld [tilespmem:s30+$0x14010]  }
0xa7: {  	v22 =	vld [tilespmem:s30+$0x14020]  }
0xa8: {  	v23 =	vld [tilespmem:s30+$0x14030]  }
0xa9: {  	v25 =	vsub.f32 $2.000000000e+00, v10;
	v10 =	vadd.f32 $1.000000000e+00, v10;
	v24 =	vld [tilespmem:s30+$0x14040]  }
0xaa: {  	vm0 =	veq.s32 v9, v2;
	v26 =	vsub.f32 $2.000000000e+00, v13;
	v13 =	vadd.f32 $1.000000000e+00, v13;
	v27 =	vld [tilespmem:s30+$0x14050]  }
0xab: {  	v9 =	vsel vm0, v25, v10;
	v28 =	vsub.f32 $2.000000000e+00, v21;
	v21 =	vadd.f32 $1.000000000e+00, v21;
	v29 =	vld [tilespmem:s30+$0x14060]  }
0xac: {  	v9 =	vshra.s32 v9, $0xC;
	v25 =	vld.idx.msk [tilespmem:v3+s30+$0x4000 ss:$0x1], $0xffff;
	v30 =	vsub.f32 $2.000000000e+00, v22;
	v22 =	vadd.f32 $1.000000000e+00, v22  }
0xad: {  	v33 =	vadd.s32 $0xFFFC0800, v9;
	v31 =	vld.idx.msk [tilespmem:v3+s30+$0x4010 ss:$0x1], $0xffff;
	v32 =	vsub.f32 $2.000000000e+00, v23;
	v23 =	vadd.f32 $1.000000000e+00, v23  }
0xae: {  	v34 =	vld.idx.msk [tilespmem:v3+s30+$0x4020 ss:$0x1], $0xffff;
	v35 =	vsub.f32 $2.000000000e+00, v24;
	v24 =	vadd.f32 $1.000000000e+00, v24  }
0xaf: {  	v36 =	vld.idx.msk [tilespmem:v3+s30+$0x4030 ss:$0x1], $0xffff;
	v37 =	vsub.f32 $2.000000000e+00, v27;
	v27 =	vadd.f32 $1.000000000e+00, v27  }
0xb0: {  	v38 =	vld.idx.msk [tilespmem:v3+s30+$0x4040 ss:$0x1], $0xffff;
	v9 =	vsub.f32 $2.000000000e+00, v29;
	v10 =	vadd.f32 $1.000000000e+00, v29  }
0xb1: {  	v39 =	vsel vm0, $0x2001, v1;
	v29 =	vld.idx.msk [tilespmem:v3+s30+$0x4050 ss:$0x1], $0xffff  }
0xb2: {  	vm0 =	veq.s32 v25, v2;
	[tilespmem:v33+s18+$0x0] =	vst.idx.add.s32.msk $0xffff, v39  }
0xb3: {  	v13 =	vsel vm0, v26, v13;
	v25 =	vsel vm0, $0x2001, v1;
	vm0 =	veq.s32 v31, v2;
	v26 =	vld.idx.msk [tilespmem:v3+s30+$0x4060 ss:$0x1], $0xffff  }
0xb4: {  	v13 =	vshra.s32 v13, $0xC;
	v21 =	vsel vm0, v28, v21;
	vm1 =	veq.s32 v34, v2;
	[tilespmem:v7+s18+$0x0] =	vst.idx.add.s32.msk $0xffff, v6  }
.Ltmp6:
0xb5: {  	v21 =	vshra.s32 v21, $0xC;
	v6 =	vsel vm1, v30, v22;
	vm2 =	veq.s32 v36, v2;
	[tilespmem:v8+s18+$0x0] =	vst.idx.add.s32.msk $0xffff, v11;
	(pc) =	sbr.rel @p2 .LBB2_7-.Ltmp6, $4  }
0xb6: {  	v11 =	vshra.s32 v6, $0xC;
	v22 =	vsel vm2, v32, v23;
	vm3 =	veq.s32 v38, v2;
	[tilespmem:v15+s18+$0x0] =	vst.idx.add.s32.msk $0xffff, v12  }
0xb7: {  	v12 =	vshra.s32 v22, $0xC;
	v8 =	vsel vm3, v35, v24;
	vm4 =	veq.s32 v29, v2;
	[tilespmem:v16+s18+$0x0] =	vst.idx.add.s32.msk $0xffff, v14  }
0xb8: {  	v7 =	vadd.s32 $0xFFFC0800, v13;
	v13 =	vshra.s32 v8, $0xC;
	v14 =	vsel vm4, v37, v27;
	v6 =	vmovc v25;
	[tilespmem:v17+s18+$0x0] =	vst.idx.add.s32.msk $0xffff, v19  }
0xb9: {  	s29 =	sadd.s32 $0x200, s29;
	v8 =	vadd.s32 $0xFFFC0800, v21;
	v14 =	vshra.s32 v14, $0xC;
	vm5 =	veq.s32 v26, v2;
	[tilespmem:v18+s18+$0x0] =	vst.idx.add.s32.msk $0xffff, v20  }
0xba: {  	_ =	sdelay $0x1  }
0xbb: {  	v2 =	vadd.s32 $0xFFFC0800, v11  }
0xbc: {  	v3 =	vadd.s32 $0xFFFC0800, v12  }
0xbd: {  	v9 =	vsel vm5, v9, v10;
	[tilespmem:v4+s18+$0x0] =	vst.idx.add.s32.msk $0xffff, v5;
	v58 =	vadd.s32 $0xFFFC0800, v13  }
0xbe: {  	v59 =	vadd.s32 $0xFFFC0800, v14;
	v60 =	vsel vm0, $0x2001, v1;
	[tilespmem:v7+s18+$0x0] =	vst.idx.add.s32.msk $0xffff, v6;
	v9 =	vshra.s32 v9, $0xC  }
0xbf: {  	v61 =	vsel vm1, $0x2001, v1;
	[tilespmem:v8+s18+$0x0] =	vst.idx.add.s32.msk $0xffff, v60;
	v62 =	vadd.s32 $0xFFFC0800, v9  }
.Ltmp7:
0xc0: {  	v63 =	vsel vm2, $0x2001, v1;
	[tilespmem:v2+s18+$0x0] =	vst.idx.add.s32.msk $0xffff, v61;
	(pc) =	sbr.rel @p1 .LBB2_11-.Ltmp7, $4  }
0xc1: {  	v2 =	vsel vm3, $0x2001, v1;
	[tilespmem:v3+s18+$0x0] =	vst.idx.add.s32.msk $0xffff, v63  }
0xc2: {  	v3 =	vsel vm4, $0x2001, v1;
	[tilespmem:v58+s18+$0x0] =	vst.idx.add.s32.msk $0xffff, v2  }
0xc3: {  	v2 =	vsel vm5, $0x2001, v1;
	[tilespmem:v59+s18+$0x0] =	vst.idx.add.s32.msk $0xffff, v3  }
0xc4: {  	[tilespmem:v62+s18+$0x0] =	vst.idx.add.s32.msk $0xffff, v2  }
0xc5: {  	s25 =	sadd.s32 $0x3, s25  }
0xc6: {  	s28 =	sshrl.u32 s25, $0x2  }
0xc7: {  	s25 =	sshll.u32 s25, $0xE;
	s28 =	sadd.s32 s7, s28  }
0xc8: {  	p1 =	seq.s32 s26, $0x0;
	s25 =	sand.u32 $0xC000, s25;
	s28 =	sshll.u32 s28, $0x12  }
.Ltmp8:
0xc9: {  	s25 =	sor.u32 s25, s28;
	(pc) =	sbr.rel @p1 .LBB2_15-.Ltmp8, $4  }
0xca: {  	s25 =	sor.u32 s4, s25  }
0xcb: {  	s25 =	sshrl.u32 s25, $0x3  }
0xcc: {  	s25 =	sadd.s32 s3, s25  }
0xcd: {  	[tilespmem:s16], [sflag:$0x2] =	stream.linear.gather [hbm4b:s25+s2], $0x4000, $0x38;
	[tilespmem:$0x19880] =	vst v63  }
0xce: {  	p1 =	seq.s32 s24, $0x0  }
.Ltmp9:
0xcf: {  	_ = 	snop;
	(pc) =	sbr.rel @p1 .LBB2_12-.Ltmp9, $1  }
0xd0: {  	_ =	sdelay $0x3  }
.LBB2_11:
0xd1: {  	_ =	swait.ge [sflag:s20], $0x1000  }
0xd2: {  	[sflag:s20] =	ssyncset.done $0x0  }
0xd3: {  	[sflag:s20] =	ssyncadd.s32 $0xFFFFF000  }
.LBB2_12:
0xd4: {  	s25 =	simm.s32 $0x18010  }
0xd5: {  	v2 =	vld [tilespmem:s25+$0x0];
	_ =	sdelay $0x1  }
0xd6: {  	v4 =	vld [tilespmem:s25+$0xFFFFFFF0];
	_ =	sdelay $0x1  }
0xd7: {  	[tilespmem:s25+$0x0] =	vst v0  }
0xd8: {  	s26 =	simm.s32 $0x18880;
	[tilespmem:s25+$0xFFFFFFF0] =	vst v0;
	v3 =	vshra.s32 v2, $0xD  }
0xd9: {  	s28 =	simm.s32 $0x18030;
	v2 =	vand.u32 $0x1FFF, v2;
	[tilespmem:s26+$0x810] =	vst v3  }
0xda: {  	s25 =	simm.s32 $0x0;
	v5 =	vand.u32 $0x1FFF, v4;
	v3 =	vld [tilespmem:s28+$0x0];
	[tilespmem:s26+$0x10] =	vst v2  }
0xdb: {  	s29 =	simm.s32 $0x2;
	s30 =	sand.u32 $0x7E0, s25;
	v4 =	vshra.s32 v4, $0xD;
	v2 =	vld [tilespmem:s28+$0xFFFFFFF0];
	[tilespmem:s26+$0x0] =	vst v5  }
.LBB2_13:
0xdc: {  	s29 =	sadd.s32 $0x2, s29  }
0xdd: {  	[tilespmem:s30+$0x19080] =	vst v4;
	s26 =	sadd.s32 $0x20, s26;
	s25 =	sadd.s32 $0x20, s25;
	p1 =	slt.u32 s29, $0x7E  }
.Ltmp10:
0xde: {  	[tilespmem:s28+$0x0] =	vst v0;
	(pc) =	sbr.rel @p1 .LBB2_13-.Ltmp10, $4  }
0xdf: {  	[tilespmem:s28+$0xFFFFFFF0] =	vst v0;
	v4 =	vshra.s32 v3, $0xD;
	s28 =	sadd.s32 $0x20, s28  }
0xe0: {  	v5 =	vand.u32 $0x1FFF, v3;
	v3 =	vld [tilespmem:s28+$0x0];
	[tilespmem:s26+$0x810] =	vst v4  }
0xe1: {  	v4 =	vand.u32 $0x1FFF, v2;
	[tilespmem:s26+$0x10] =	vst v5  }
0xe2: {  	s30 =	sand.u32 $0x7E0, s25;
	[tilespmem:s26+$0x0] =	vst v4;
	v4 =	vshra.s32 v2, $0xD;
	v2 =	vld [tilespmem:s28+$0xFFFFFFF0]  }
0xe3: {  	[tilespmem:s30+$0x19080] =	vst v4  }
0xe4: {  	[tilespmem:s28+$0x0] =	vst v0  }
0xe5: {  	s26 =	sadd.s32 $0x20, s26;
	[tilespmem:s28+$0xFFFFFFF0] =	vst v0;
	s24 =	sadd.s32 s10, s24;
	v62 =	vshra.s32 v3, $0xD  }
.Ltmp11:
0xe6: {  	s30 =	sshll.u32 s24, $0x4;
	v3 =	vand.u32 $0x1FFF, v3;
	[tilespmem:s26+$0x810] =	vst v62;
	(pc) =	sbr.rel .LBB2_15-.Ltmp11, $4  }
0xe7: {  	s25 =	sadd.s32 $0x20, s25;
	s24 =	sshll.u32 s24, $0x9;
	s28 =	sand.u32 $0x70, s30;
	[tilespmem:s26+$0x10] =	vst v3;
	v63 =	vand.u32 $0x1FFF, v2  }
0xe8: {  	s25 =	sand.u32 $0x7E0, s25;
	s24 =	sand.u32 $0xFFFF000, s24;
	s31 =	sadd.s32 s5, s28;
	v2 =	vshra.s32 v2, $0xD;
	[tilespmem:s26+$0x0] =	vst v63  }
0xe9: {  	s24 =	sadd.s32 s24, s31;
	[tilespmem:s25+$0x19080] =	vst v2  }
0xea: {  	[hbm4b:s24+s12] =	stream.strided.scatter [tilespmem:s21], [sflag:$0x3], $0x1000, s13, s12, $0x38;
	[tilespmem:$0x19880] =	vst v63  }
.LBB2_17:
0xeb: {  	_ =	sfence.sel $0x180000  }
0xec: {  	[bflag:$0x0] =	sbarrier.arrive $0xFFFF  }
0xed: {  	p0 =	sne.s32 s0, $0x0;
	_ =	strace $0x9000004A  }
0xee: {  	s0 =	sadd.s32 @!p0 $0x100000, s1;
	[bflag:$0x2] =	sbarrier.arrive $0xFFFF  }
0xef: {  	[sflag:s0] =	ssyncadd.tile.s32 @!p0 $0x1;
	_ =	shalt  }
.Lfunc_end2:
_tile_overlayer_lowered:
.L_overlay_start_2:
0xf0: {  	(tag) =	ssettag $0x2  }
0xf1: {  	s0 =	rddreg [dreg:$0x0];
	s2 =	stileid.u32  }
0xf2: {  	s1 =	rddreg [dreg:$0x1];
	p0 =	sne.s32 s2, $0x0  }
0xf3: {  	s3 =	rddreg [dreg:$0x2];
	[bflag:$0x3] =	sbarrier.arrive $0xFFFF;
	s2 =	simm.s32 @!p0 $0x1C04  }
0xf4: {  	[timem:s3], [sflag:s2] =	dma.local @!p0 [hbm:s0], s1  }
0xf5: {  	s0 =	simm.s32 @!p0 $0x4  }
0xf6: {  	_ =	swait.ge @!p0 [sflag:s0], s1  }
0xf7: {  	s1 =	ssub.s32 @!p0 $0x0, s1;
	[sflag:s0] =	ssyncset.done @!p0 $0x0  }
0xf8: {  	[sflag:s0] =	ssyncadd.s32 @!p0 s1  }
0xf9: {  	[bflag:$0x3] =	sbarrier.arrive $0xFFFF  }
0xfa: {  	_ =	shalt  }

// kernel: sparse-core-data-format-call.cloned.1.call-start
scs
called_computation_lowered:
.L_overlay_start_0:
0x0: {  	s2 =	sld [smem:$0x3FD9]  }
0x1: {  	s3 =	sld [smem:$0x3FFE];
	_ =	sdelay $0x1  }
0x2: {  	s1 =	srdreg.scid  }
0x3: {  	s0 =	sand.u32 $0x1, s1  }
0x4: {  	s18 =	sshll.u32 s0, $0xA;
	s2 =	sadd.s32 s3, s2  }
0x5: {  	s2 =	sadd.s32 s2, s18  }
0x6: {  	[smem:$0x3FC6] =	sst s2  }
0x7: {  	_ = 	snop  }
0x8: {  	s2 =	sld [smem:$0x3FC9];
	(tm) =	ssettm $0x1  }
0x9: {  	s19 =	sld [smem:$0x3FFB];
	_ =	sdelay $0x3  }
0xa: {  	_ =	strace s19  }
0xb: {  	s3 =	sld [smem:$0x3FFC];
	_ =	sdelay $0x3  }
0xc: {  	_ =	strace s3  }
0xd: {  	s3 =	sld [smem:$0x3FFD];
	_ =	sdelay $0x3  }
0xe: {  	_ =	strace s3  }
0xf: {  	_ =	strace $0x8FFFFFFF  }
0x10: {  	s20 =	sld [smem:$0x3FDB];
	_ =	sdelay $0x1  }
0x11: {  	s4 =	simm.s32 $_scs_section_size  }
0x12: {  	s5 =	simm.s32 $_size__tile_overlayer_lowered;
	s6 =	simm.s32 $_tile_overlayer_lowered  }
0x13: {  	s23 =	simm.s32 $0x1BFF;
	s22 =	sshll.u32 s6, $0x1;
	s3 =	sadd.s32 s4, s20  }
0x14: {  	s7 =	simm.s32 $0x0;
	s21 =	sshll.u32 s5, $0x1;
	s5 =	sadd.s32 s22, s3  }
0x15: {  	[timem:s7], [sflag:s23] =	dma.local [hbm:s5], s21  }
0x16: {  	_ =	swait.ge [sflag:s23], s21  }
0x17: {  	s4 =	ssub.s32 $0x0, s21;
	[sflag:s23] =	ssyncset.done $0x0  }
0x18: {  	[sflag:s23] =	ssyncadd.s32 s4;
	_ =	sdelay $0x1  }
0x19: {  	s24 =	simm.s32 $0x1B8B  }
0x1a: {  	_ =	swait.ge [sflag:s24], $0x1  }
0x1b: {  	[sflag:s24] =	ssyncset.done $0x0  }
0x1c: {  	s26 =	simm.s32 $0x1B8E;
	s25 =	sld [smem:$0x3FFE];
	[sflag:s24] =	ssyncadd.s32 $0xFFFFFFFF  }
0x1d: {  	s27 =	simm.s32 $execute0_lowered;
	[smem:$0x3FD2] =	sst s26  }
0x1e: {  	s5 =	sshll.u32 s27, $0x1;
	_ =	strace $0x80000046;
	[dreg:$0x1] =	wrdreg $0xFFFFFFFF  }
0x1f: {  	s28 =	simm.s32 $_size_execute0_lowered;
	s3 =	sadd.s32 s3, s5;
	[dreg:$0x0] =	wrdreg $0x0  }
0x20: {  	s5 =	sshll.u32 s28, $0x1;
	[dreg:$0x2] =	wrdreg s3  }
0x21: {  	[dreg:$0x3] =	wrdreg s5  }
0x22: {  	[dreg:$0x4] =	wrdreg $0xC0  }
0x23: {  	_ =	task [dreg:s7], $0x5FFFF  }
0x24: {  	[dreg:$0x1] =	wrdreg $0xFFFFFFFF  }
0x25: {  	[dreg:$0x0] =	wrdreg $0x60  }
0x26: {  	[dreg:$0x2] =	wrdreg s2  }
0x27: {  	[dreg:$0x3] =	wrdreg s25  }
0x28: {  	[dreg:$0x4] =	wrdreg $0x9  }
0x29: {  	_ =	task.clear_ibuf [dreg:s7], $0x5FFFF;
	_ =	strace $0x90000046  }
0x2a: {  	s29 =	simm.s32 $0x9;
	_ =	strace $0x80000048  }
0x2b: {  	_ =	swait.ge [sflag:s29], $0x1  }
0x2c: {  	[sflag:s29] =	ssyncadd.s32 $0xFFFFFFFF  }
0x2d: {  	_ =	strace $0x90000048  }
0x2e: {  	_ =	sfence  }
0x2f: {  	s30 =	sld [smem:$0x0];
	_ =	sdelay $0x2  }
0x30: {  	s31 =	sshll.u32 s1, $0xD;
	s1 =	sshrl.u32 s1, $0x2  }
0x31: {  	s3 =	sand.u32 $0x4000, s31;
	s1 =	sadd.s32 s1, s30  }
0x32: {  	s0 =	sor.u32 s3, s0;
	s1 =	sshll.u32 s1, $0x11  }
0x33: {  	s0 =	sor.u32 s1, s0  }
0x34: {  	s0 =	sadd.s32 $0x8F2B, s0  }
0x35: {  	[sflag:s0] =	ssyncadd.remote.s32 $0x1  }
0x36: {  	_ =	sfence.sel $0xFFFF  }
0x37: {  	[dreg:$0x0] =	wrdreg $0xFFFFFFFF;
	(pc) =	sbr.abs _section_cstart, $3  }
0x38: {  	[dreg:$0x1] =	wrdreg $0xFFFFFFFF  }
0x39: {  	_ =	task.clear_ibuf [dreg:s7], $0x2FFFF;
	_ =	strace $0x9FFFFFFF  }
0x3a: {  	(tm) =	ssettm $0x7FFFFFFF  }
0x3b: {  	_ =	shalt  }
tec
execute0_lowered:
.L_overlay_start_1:
0x0: {  	(tag) =	ssettag $0x1  }
0x1: {  	s0 =	srdreg.scid  }
0x2: {  	s1 =	sshll.u32 s0, $0x4  }
0x3: {  	s2 =	rddreg [dreg:$0x0];
	s0 =	stileid.u32;
	s1 =	sand.u32 $0x10, s1  }
0x4: {  	s4 =	rddreg [dreg:$0x1];
	s7 =	simm.s32 $0x1;
	s1 =	sor.u32 s0, s1  }
0x5: {  	s8 =	simm.s32 $0x2;
	s9 =	simm.s32 $0x0;
	s3 =	sshll.u32 s1, $0x2  }
0x6: {  	s12 =	simm.s32 $0x0;
	s11 =	simm.s32 $0x0;
	s6 =	ssub.s32 $0x2600, s3  }
.Ltmp0:
0x7: {  	s4 =	sadd.s32 $0xE00, s4;
	s5 =	sand.u32 $0x7C, s6;
	(pc) =	sbr.rel .LBB1_1-.Ltmp0, $4  }
0x8: {  	s1 =	rddreg [dreg:$0x2];
	_ =	strace $0x80000047;
	p0 =	sne.s32 s5, $0x0  }
0x9: {  	s6 =	sshrl.u32 s6, $0x7;
	s5 =	simm.s32 $0x1;
	s7 =	simm.s32 @!p0 $0x0  }
0xa: {  	s10 =	smov.u32 s3;
	[sflag:s5] =	ssyncpa.u1 $0x0;
	s6 =	sadd.s32 s7, s6  }
0xb: {  	[sflag:s8] =	ssyncpa.u1 $0x0;
	s8 =	simm.s32 $0x0;
	s7 =	sadd.s32 $0x1, s6  }
.LBB1_9:
0xc: {  	s14 =	sadd.s32 $0x80, s10  }
0xd: {  	p1 =	sgt.s32 s14, $0x25FF  }
0xe: {  	s14 =	smov.u32 @p1 s3;
	p1 =	sne.s32 s11, s7  }
.Ltmp1:
0xf: {  	p0 =	slt.u32 s11, $0x2;
	(pc) =	sbr.rel @!p1 .LBB1_10-.Ltmp1, $4  }
0x10: {  	s13 =	simm.s32 @!p0 $0x2  }
0x11: {  	s15 =	sadd.s32 $0x1, s11;
	_ =	swait.ge @!p0 [sflag:s13], $0x4000  }
0x12: {  	s12 =	smov.u32 s10;
	s9 =	sadd.s32 $0x4000, s9;
	[sflag:s13] =	ssyncset.done @!p0 $0x0  }
0x13: {  	s11 =	smov.u32 s15;
	s10 =	smov.u32 s14;
	[sflag:s13] =	ssyncadd.s32 @!p0 $0xFFFFC000  }
.LBB1_1:
0x14: {  	p0 =	sge.u32 s11, s6  }
0x15: {  	s13 =	sxor.u32 @!p0 $0xFFFFFFFF, s11  }
0x16: {  	s31 =	sadd.s32 $0xFFFFFFFF, s11;
	s14 =	sshll.u32 @!p0 s10, $0x9;
	s13 =	sshll.u32 @!p0 s13, $0xE  }
0x17: {  	s15 =	simm.s32 @!p0 $0x0;
	s14 =	sadd.s32 @!p0 s2, s14;
	s13 =	sand.u32 @!p0 $0x4000, s13  }
0x18: {  	[tilespmem:s13], [sflag:$0x1] =	stream.linear.gather @!p0 [hbm4b:s14+s15], $0x4000, $0x38;
	[tilespmem:$0x10000] =	vst v63  }
0x19: {  	p0 =	sge.u32 s31, s6  }
.Ltmp2:
0x1a: {  	_ = 	snop;
	(pc) =	sbr.rel @p0 .LBB1_9-.Ltmp2, $1  }
0x1b: {  	_ =	sdelay $0x3  }
0x1c: {  	s14 =	sand.u32 $0x4000, s9  }
0x1d: {  	_ =	swait.ge [sflag:s5], $0x4000;
	s15 =	sshll.u32 s11, $0xE;
	s16 =	simm.s32 $0x0  }
0x1e: {  	s13 =	sor.u32 $0x40, s14;
	[sflag:s5] =	ssyncset.done $0x0;
	s15 =	sand.u32 $0x4000, s15  }
0x1f: {  	s14 =	sor.u32 $0x8040, s14;
	[sflag:s5] =	ssyncadd.s32 $0xFFFFC000;
	s15 =	sor.u32 $0x8000, s15  }
.LBB1_3:
0x20: {  	s17 =	smov.u32 s14;
	s18 =	smov.u32 s13;
	s19 =	simm.s32 $0x0  }
.LBB1_4:
0x21: {  	v0 =	vmov s17;
	v2 =	vld [tilespmem:s18+$0x30]  }
0x22: {  	v4 =	vld [tilespmem:s18+$0xFFFFFFD0]  }
0x23: {  	v6 =	vld [tilespmem:s18+$0xFFFFFFE0]  }
0x24: {  	v7 =	vld [tilespmem:s18+$0xFFFFFFF0]  }
0x25: {  	s20 =	simm.s32 $0x0;
	v1 =	vld [tilespmem:s18+$0x0]  }
0x26: {  	v3 =	vld [tilespmem:s18+$0x10];
	[tilespmem:v0+s20+$0x30 ss:$0x1] =	vst.idx.msk $0xffff, v2  }
0x27: {  	v5 =	vld [tilespmem:s18+$0x20];
	[tilespmem:v0+s20+$0xFFFFFFD0 ss:$0x1] =	vst.idx.msk $0xffff, v4  }
0x28: {  	s21 =	sadd.s32 $0x80, s18;
	v2 =	vld [tilespmem:s18+$0xFFFFFFC0];
	[tilespmem:v0+s20+$0xFFFFFFE0 ss:$0x1] =	vst.idx.msk $0xffff, v6  }
0x29: {  	s22 =	simm.s32 $0x800;
	s23 =	simm.s32 $0x1000;
	v4 =	vld [tilespmem:s21+$0x30];
	[tilespmem:v0+s20+$0xFFFFFFF0 ss:$0x1] =	vst.idx.msk $0xffff, v7  }
.LBB1_5:
0x2a: {  	p0 =	sne.s32 s23, $0x3800;
	v6 =	vld [tilespmem:s21+$0xFFFFFFD0];
	[tilespmem:v0+s20+$0x0 ss:$0x1] =	vst.idx.msk $0xffff, v1  }
0x2b: {  	v7 =	vld [tilespmem:s21+$0xFFFFFFE0];
	[tilespmem:v0+s20+$0x10 ss:$0x1] =	vst.idx.msk $0xffff, v3  }
0x2c: {  	v8 =	vld [tilespmem:s21+$0xFFFFFFF0];
	[tilespmem:v0+s20+$0x20 ss:$0x1] =	vst.idx.msk $0xffff, v5  }
.Ltmp3:
0x2d: {  	v1 =	vld [tilespmem:s21+$0x0];
	[tilespmem:v0+s20+$0xFFFFFFC0 ss:$0x1] =	vst.idx.msk $0xffff, v2;
	s20 =	sshra.s32 s22, $0x2;
	s22 =	smov.u32 s23;
	(pc) =	sbr.rel @p0 .LBB1_5-.Ltmp3, $4  }
0x2e: {  	v3 =	vld [tilespmem:s21+$0x10];
	[tilespmem:v0+s20+$0x30 ss:$0x1] =	vst.idx.msk $0xffff, v4  }
0x2f: {  	[tilespmem:v0+s20+$0xFFFFFFD0 ss:$0x1] =	vst.idx.msk $0xffff, v6;
	v5 =	vld [tilespmem:s21+$0x20]  }
0x30: {  	v2 =	vld [tilespmem:s21+$0xFFFFFFC0];
	[tilespmem:v0+s20+$0xFFFFFFE0 ss:$0x1] =	vst.idx.msk $0xffff, v7;
	s21 =	sadd.s32 $0x80, s21  }
0x31: {  	s23 =	sadd.s32 $0x800, s23;
	v4 =	vld [tilespmem:s21+$0x30];
	[tilespmem:v0+s20+$0xFFFFFFF0 ss:$0x1] =	vst.idx.msk $0xffff, v8  }
0x32: {  	_ =	sdelay $0x3  }
0x33: {  	v6 =	vld [tilespmem:s21+$0xFFFFFFD0];
	[tilespmem:v0+s20+$0x0 ss:$0x1] =	vst.idx.msk $0xffff, v1  }
0x34: {  	v58 =	vld [tilespmem:s21+$0xFFFFFFE0];
	[tilespmem:v0+s20+$0x10 ss:$0x1] =	vst.idx.msk $0xffff, v3  }
0x35: {  	v59 =	vld [tilespmem:s21+$0xFFFFFFF0];
	[tilespmem:v0+s20+$0x20 ss:$0x1] =	vst.idx.msk $0xffff, v5  }
0x36: {  	s22 =	sshra.s32 s22, $0x2;
	v60 =	vld [tilespmem:s21+$0x0];
	[tilespmem:v0+s20+$0xFFFFFFC0 ss:$0x1] =	vst.idx.msk $0xffff, v2  }
0x37: {  	v61 =	vld [tilespmem:s21+$0x10];
	[tilespmem:v0+s22+$0x30 ss:$0x1] =	vst.idx.msk $0xffff, v4  }
0x38: {  	v62 =	vld [tilespmem:s21+$0x20];
	s19 =	sadd.s32 $0x1, s19;
	[tilespmem:v0+s22+$0xFFFFFFD0 ss:$0x1] =	vst.idx.msk $0xffff, v6  }
0x39: {  	v63 =	vld [tilespmem:s21+$0xFFFFFFC0];
	p0 =	sne.s32 s19, $0x4;
	[tilespmem:v0+s22+$0xFFFFFFE0 ss:$0x1] =	vst.idx.msk $0xffff, v58  }
.Ltmp4:
0x3a: {  	[tilespmem:v0+s22+$0xFFFFFFF0 ss:$0x1] =	vst.idx.msk $0xffff, v59;
	(pc) =	sbr.rel @p0 .LBB1_4-.Ltmp4, $4  }
0x3b: {  	[tilespmem:v0+s22+$0x0 ss:$0x1] =	vst.idx.msk $0xffff, v60  }
0x3c: {  	[tilespmem:v0+s22+$0x10 ss:$0x1] =	vst.idx.msk $0xffff, v61  }
0x3d: {  	[tilespmem:v0+s22+$0x20 ss:$0x1] =	vst.idx.msk $0xffff, v62  }
0x3e: {  	s18 =	sadd.s32 $0x400, s18;
	s17 =	sadd.s32 $0x80, s17;
	[tilespmem:v0+s22+$0xFFFFFFC0 ss:$0x1] =	vst.idx.msk $0xffff, v63  }
0x3f: {  	s16 =	sadd.s32 $0x1, s16  }
0x40: {  	p0 =	sne.s32 s16, $0x4  }
.Ltmp5:
0x41: {  	_ = 	snop;
	(pc) =	sbr.rel @p0 .LBB1_3-.Ltmp5, $2  }
0x42: {  	_ =	sdelay $0x2  }
0x43: {  	s13 =	sadd.s32 $0x1000, s13;
	s14 =	sadd.s32 $0x1000, s14  }
.Ltmp6:
0x44: {  	(pc) =	sbr.rel .LBB1_9-.Ltmp6, $4  }
0x45: {  	_ = 	snop  }
0x46: {  	s12 =	sshll.u32 s12, $0x9  }
0x47: {  	s12 =	sadd.s32 s4, s12  }
0x48: {  	[hbm4b:s12+s8] =	stream.linear.scatter [tilespmem:s15], [sflag:$0x2], $0x4000, $0x38;
	[tilespmem:$0x10000] =	vst v63  }
.LBB1_10:
0x49: {  	_ =	sfence.sel $0x180000  }
0x4a: {  	s2 =	simm.s32 $0x1;
	[bflag:$0x0] =	sbarrier.arrive $0xFFFF  }
0x4b: {  	s31 =	simm.s32 $0x2;
	[sflag:s2] =	ssyncpa.u1 $0x1  }
0x4c: {  	[sflag:s31] =	ssyncpa.u1 $0x1  }
0x4d: {  	p0 =	sne.s32 s0, $0x0;
	_ =	strace $0x90000047  }
0x4e: {  	s0 =	sadd.s32 @!p0 $0x100000, s1;
	[bflag:$0x2] =	sbarrier.arrive $0xFFFF  }
0x4f: {  	[sflag:s0] =	ssyncadd.tile.s32 @!p0 $0x1;
	_ =	shalt  }
.Lfunc_end1:
_tile_overlayer_lowered:
.L_overlay_start_2:
0x50: {  	(tag) =	ssettag $0x2  }
0x51: {  	s0 =	rddreg [dreg:$0x0];
	s2 =	stileid.u32  }
0x52: {  	s1 =	rddreg [dreg:$0x1];
	p0 =	sne.s32 s2, $0x0  }
0x53: {  	s3 =	rddreg [dreg:$0x2];
	[bflag:$0x3] =	sbarrier.arrive $0xFFFF;
	s2 =	simm.s32 @!p0 $0x1C01  }
0x54: {  	[timem:s3], [sflag:s2] =	dma.local @!p0 [hbm:s0], s1  }
0x55: {  	s0 =	simm.s32 @!p0 $0x1  }
0x56: {  	_ =	swait.ge @!p0 [sflag:s0], s1  }
0x57: {  	s1 =	ssub.s32 @!p0 $0x0, s1;
	[sflag:s0] =	ssyncset.done @!p0 $0x0  }
0x58: {  	[sflag:s0] =	ssyncadd.s32 @!p0 s1  }
0x59: {  	[bflag:$0x3] =	sbarrier.arrive $0xFFFF  }
0x5a: {  	_ =	shalt  }

</sc_bundles>
